<compile_context>
chip_gen: v7x
topology: tpu7x:2x2x1
jax: 0.10.2.dev20260603
libtpu: 0.0.44.dev20260713+nightly
codegen_flags: <defaults>
</compile_context>

<pallas_src>
import functools

import jax
import jax.numpy as jnp
from jax import lax
from jax.experimental import pallas as pl
from jax.experimental.pallas import tpu as pltpu
from jax.experimental.pallas import tpu_sc as plsc

_MOMENTUM = 0.9
_B, _N, _D, _M = 1024, 77, 768, 100000
_NC, _NS, _L = 2, 16, 16
_NW = _NC * _NS
_BPW = _B // _NW

_mesh = plsc.VectorSubcoreMesh(
    core_axis_name="c", subcore_axis_name="s", num_cores=_NC, num_subcores=_NS
)


@functools.partial(
    pl.kernel,
    out_type=(),
    mesh=_mesh,
    scratch_types=[
        pltpu.VMEM((_BPW,), jnp.int32),
        pltpu.VMEM((_BPW,), jnp.int32),
        pltpu.VMEM((_BPW,), jnp.int32),
        pltpu.VMEM((_BPW, _D), jnp.float32),
        pltpu.VMEM((_BPW, _D), jnp.float32),
        pltpu.SemaphoreType.DMA,
    ],
)
def _sc_update(meta_hbm, ids_hbm, pos_hbm, emb_ref, mem_ref,
               idx_v, pos_v, eidx_v, rows_v, meta_v, sem):
    wid = lax.axis_index("s") * _NC + lax.axis_index("c")
    base = wid * _BPW

    pltpu.sync_copy(ids_hbm.at[pl.ds(base, _BPW)], idx_v)
    pltpu.sync_copy(pos_hbm.at[pl.ds(base, _BPW)], pos_v)
    pltpu.sync_copy(meta_hbm.at[pl.ds(base, _BPW)], meta_v)

    pltpu.async_copy(mem_ref.at[idx_v], rows_v, sem).wait()

    plsc.subcore_barrier()

    def _row(r, carry):
        for c in range(_D // _L):
            s = pl.ds(c * _L, _L)
            rows_v[r, s] = (
                rows_v[r, s] * _MOMENTUM + meta_v[r, s] * (1.0 - _MOMENTUM)
            )
        return carry

    lax.fori_loop(0, _BPW, _row, 0)

    for c in range(_BPW // _L):
        s = pl.ds(c * _L, _L)
        row_id = base + c * _L + lax.iota(jnp.int32, _L)
        eidx_v[s] = pos_v[s] * _B + row_id

    upd_mem = pltpu.async_copy(rows_v, mem_ref.at[idx_v], sem)
    upd_emb = pltpu.async_copy(rows_v, emb_ref.at[eidx_v], sem)
    upd_mem.wait()
    upd_emb.wait()


_EPW = (_N * _B) // _NW
_MPW = 3128


@functools.partial(
    pl.kernel,
    out_type=(
        jax.ShapeDtypeStruct((_N * _B, _D), jnp.float32),
        jax.ShapeDtypeStruct((_M, _D), jnp.float32),
    ),
    mesh=_mesh,
    scratch_types=[pltpu.SemaphoreType.DMA, pltpu.SemaphoreType.DMA],
)
def _sc_bulkcopy(emb_hbm, mem_hbm, emb_out, mem_out, sem_a, sem_b):
    wid = lax.axis_index("s") * _NC + lax.axis_index("c")
    e_lo = wid * _EPW
    m_lo = jnp.minimum(wid * _MPW, _M - _MPW)
    cp_e = pltpu.async_copy(
        emb_hbm.at[pl.ds(e_lo, _EPW)], emb_out.at[pl.ds(e_lo, _EPW)], sem_a
    )
    cp_m = pltpu.async_copy(
        mem_hbm.at[pl.ds(m_lo, _MPW)], mem_out.at[pl.ds(m_lo, _MPW)], sem_b
    )
    cp_e.wait()
    cp_m.wait()


def kernel(embedded_text, meta, mem, ids, pos):
    emb_in = jnp.swapaxes(embedded_text, 0, 1).reshape(_N * _B, _D)
    emb_copy, mem_copy = _sc_bulkcopy(emb_in, mem)
    emb_ref = jax.new_ref(emb_copy)
    mem_ref = jax.new_ref(mem_copy)
    _sc_update(meta, ids.astype(jnp.int32), pos.astype(jnp.int32),
               emb_ref, mem_ref)
    new_emb = jnp.swapaxes(jax.freeze(emb_ref).reshape(_N, _B, _D), 0, 1)
    return new_emb, jax.freeze(mem_ref)

# --- scband reference (transcript-rebuilt; emitter-appended) ---
"""Pipeline reference for scband-embedding-manager-id-81604378624098 (READ-ONLY COPY).

The authoritative reference and input builder live on the scoring server;
editing this copy changes nothing except your own understanding.
"""

import jax, jax.numpy as jnp
import numpy as np

MOMENTUM = 0.9

def setup_inputs(seed: int = 0) -> dict:
    key = jax.random.key(seed)
    k1, k2, k3, k4, k5 = jax.random.split(key, 5)
    B, N, D, M = 1024, 77, 768, 100000
    return {
        "embedded_text": jax.random.normal(k1, (B, N, D), dtype=jnp.float32),
        "meta": jax.random.normal(k2, (B, D), dtype=jnp.float32),
        "mem": jax.random.normal(k3, (M, D), dtype=jnp.float32),
        "ids": jax.random.randint(k4, (B,), 0, M),
        "pos": jax.random.randint(k5, (B,), 0, N),
    }

def reference(embedded_text, meta, mem, ids, pos):
    # Core scatter-memory semantics of EmbeddingManagerId:
    # 1) _momentum_update: gather the per-identity memory row, blend with the
    #    freshly computed meta embedding, and write it back (scatter-overwrite).
    gathered = jnp.take(mem, ids, axis=0)                      # gather  [B, D]
    updated = MOMENTUM * gathered + (1.0 - MOMENTUM) * meta    # momentum update
    new_mem = mem.at[ids].set(updated)                         # scatter-overwrite into memory
    # 2) swap the updated identity embedding into embedded_text at the
    #    placeholder position for each batch element (scatter-overwrite).
    b_idx = jnp.arange(embedded_text.shape[0])
    new_embedded = embedded_text.at[b_idx, pos].set(updated)
    return new_embedded, new_mem

if __name__ == "__main__":
    import jax
    _d = setup_inputs()
    print(jax.jit(kernel)(*tuple(_d.values())))

</pallas_src>

<mosaic_0001>
#map = affine_map<(d0, d1) -> (0, 0)>
#map1 = affine_map<(d0, d1) -> (0)>
module attributes {stable_mosaic.version = 14 : i64} {
  func.func @new_body(%arg0: i32, %arg1: i32, %arg2: memref<1024x768xf32, #tpu.memory_space<hbm>>, %arg3: memref<1024xi32, #tpu.memory_space<hbm>>, %arg4: memref<1024xi32, #tpu.memory_space<hbm>>, %arg5: memref<78848x768xf32, #tpu.memory_space<hbm>>, %arg6: memref<100000x768xf32, #tpu.memory_space<hbm>>, %arg7: memref<78848x768xf32, #tpu.memory_space<hbm>>, %arg8: memref<100000x768xf32, #tpu.memory_space<hbm>>, %arg9: memref<32xi32, #tpu.memory_space<vmem>>, %arg10: memref<32xi32, #tpu.memory_space<vmem>>, %arg11: memref<32xi32, #tpu.memory_space<vmem>>, %arg12: memref<32x768xf32, #tpu.memory_space<vmem>>, %arg13: memref<32x768xf32, #tpu.memory_space<vmem>>, %arg14: memref<!tpu.dma_semaphore, #tpu.memory_space<semaphore_mem>>) attributes {dimension_semantics = [#tpu.dimension_semantics<core_parallel>, #tpu.dimension_semantics<subcore_parallel>], iteration_bounds = array<i64: 2, 16>, scalar_prefetch = 0 : i64, scratch_operands = 6 : i64, tpu.core_type = #tpu.core_type<sc_vector_subcore>, window_params = [{transform_indices = #map}, {transform_indices = #map1}, {transform_indices = #map1}, {transform_indices = #map}, {transform_indices = #map}, {transform_indices = #map}, {transform_indices = #map}]} {
    %mul3A = arith.constant 2 : i32
    %mul3A_0 = arith.muli %arg1, %mul3A : i32
    %add3A = arith.addi %mul3A_0, %arg0 : i32
    %mul3A_1 = arith.constant 32 : i32
    %mul3A_2 = arith.muli %add3A, %mul3A_1 : i32
    "tpu.region"() ({
      %run_scoped3A = tpu.sem_alloc : memref<!tpu.dma_semaphore, #tpu.memory_space<semaphore_mem>>
      %dma_start3A_53 = tpu.memref_slice %arg3[%mul3A_2] : memref<1024xi32, #tpu.memory_space<hbm>> -> memref<32xi32, #tpu.memory_space<hbm>>
      %dma_start3A_54 = tpu.memref_slice %arg3[%mul3A_2] : memref<1024xi32, #tpu.memory_space<hbm>> -> memref<32xi32, #tpu.memory_space<hbm>>
      tpu.enqueue_dma source(%dma_start3A_54 : memref<32xi32, #tpu.memory_space<hbm>>) target(%arg9 : memref<32xi32, #tpu.memory_space<vmem>>) target_semaphore(%run_scoped3A : memref<!tpu.dma_semaphore, #tpu.memory_space<semaphore_mem>>)
      %dma_wait3A_55 = tpu.memref_slice %arg3[%mul3A_2] : memref<1024xi32, #tpu.memory_space<hbm>> -> memref<32xi32, #tpu.memory_space<hbm>>
      %dma_wait3A_56 = tpu.memref_slice %arg3[%mul3A_2] : memref<1024xi32, #tpu.memory_space<hbm>> -> memref<32xi32, #tpu.memory_space<hbm>>
      tpu.wait_dma2 semaphore(%run_scoped3A : memref<!tpu.dma_semaphore, #tpu.memory_space<semaphore_mem>>) src(%dma_wait3A_56 : memref<32xi32, #tpu.memory_space<hbm>>) dst(%arg9 : memref<32xi32, #tpu.memory_space<vmem>>)
      tpu.yield
    }) : () -> ()
    "tpu.region"() ({
      %run_scoped3A = tpu.sem_alloc : memref<!tpu.dma_semaphore, #tpu.memory_space<semaphore_mem>>
      %dma_start3A_53 = tpu.memref_slice %arg4[%mul3A_2] : memref<1024xi32, #tpu.memory_space<hbm>> -> memref<32xi32, #tpu.memory_space<hbm>>
      %dma_start3A_54 = tpu.memref_slice %arg4[%mul3A_2] : memref<1024xi32, #tpu.memory_space<hbm>> -> memref<32xi32, #tpu.memory_space<hbm>>
      tpu.enqueue_dma source(%dma_start3A_54 : memref<32xi32, #tpu.memory_space<hbm>>) target(%arg10 : memref<32xi32, #tpu.memory_space<vmem>>) target_semaphore(%run_scoped3A : memref<!tpu.dma_semaphore, #tpu.memory_space<semaphore_mem>>)
      %dma_wait3A_55 = tpu.memref_slice %arg4[%mul3A_2] : memref<1024xi32, #tpu.memory_space<hbm>> -> memref<32xi32, #tpu.memory_space<hbm>>
      %dma_wait3A_56 = tpu.memref_slice %arg4[%mul3A_2] : memref<1024xi32, #tpu.memory_space<hbm>> -> memref<32xi32, #tpu.memory_space<hbm>>
      tpu.wait_dma2 semaphore(%run_scoped3A : memref<!tpu.dma_semaphore, #tpu.memory_space<semaphore_mem>>) src(%dma_wait3A_56 : memref<32xi32, #tpu.memory_space<hbm>>) dst(%arg10 : memref<32xi32, #tpu.memory_space<vmem>>)
      tpu.yield
    }) : () -> ()
    "tpu.region"() ({
      %run_scoped3A = tpu.sem_alloc : memref<!tpu.dma_semaphore, #tpu.memory_space<semaphore_mem>>
      %dma_start3A_53 = arith.constant 0 : i32
      %dma_start3A_54 = tpu.memref_slice %arg2[%mul3A_2, %dma_start3A_53] : memref<1024x768xf32, #tpu.memory_space<hbm>> -> memref<32x768xf32, #tpu.memory_space<hbm>>
      %dma_start3A_55 = arith.constant 0 : i32
      %dma_start3A_56 = tpu.memref_slice %arg2[%mul3A_2, %dma_start3A_55] : memref<1024x768xf32, #tpu.memory_space<hbm>> -> memref<32x768xf32, #tpu.memory_space<hbm>>
      tpu.enqueue_dma source(%dma_start3A_56 : memref<32x768xf32, #tpu.memory_space<hbm>>) target(%arg13 : memref<32x768xf32, #tpu.memory_space<vmem>>) target_semaphore(%run_scoped3A : memref<!tpu.dma_semaphore, #tpu.memory_space<semaphore_mem>>)
      %dma_wait3A_57 = arith.constant 0 : i32
      %dma_wait3A_58 = tpu.memref_slice %arg2[%mul3A_2, %dma_wait3A_57] : memref<1024x768xf32, #tpu.memory_space<hbm>> -> memref<32x768xf32, #tpu.memory_space<hbm>>
      %dma_wait3A_59 = arith.constant 0 : i32
      %dma_wait3A_60 = tpu.memref_slice %arg2[%mul3A_2, %dma_wait3A_59] : memref<1024x768xf32, #tpu.memory_space<hbm>> -> memref<32x768xf32, #tpu.memory_space<hbm>>
      tpu.wait_dma2 semaphore(%run_scoped3A : memref<!tpu.dma_semaphore, #tpu.memory_space<semaphore_mem>>) src(%dma_wait3A_60 : memref<32x768xf32, #tpu.memory_space<hbm>>) dst(%arg13 : memref<32x768xf32, #tpu.memory_space<vmem>>)
      tpu.yield
    }) : () -> ()
    %dma_start3A = arith.constant 0 : i32
    %dma_start3A_3 = arith.constant 0 : i32
    %dma_start3A_4 = tpu.memref_slice %arg6[%dma_start3A, %dma_start3A_3] : memref<100000x768xf32, #tpu.memory_space<hbm>> -> memref<100000x768xf32, #tpu.memory_space<hbm>>
    tpu.enqueue_indirect_dma source(%dma_start3A_4 : memref<100000x768xf32, #tpu.memory_space<hbm>>) target(%arg12 : memref<32x768xf32, #tpu.memory_space<vmem>>) offsets(%arg9 : memref<32xi32, #tpu.memory_space<vmem>>) semaphore(%arg14 : memref<!tpu.dma_semaphore, #tpu.memory_space<semaphore_mem>>)
    %dma_wait3A = arith.constant 0 : i32
    %dma_wait3A_5 = arith.constant 0 : i32
    %dma_wait3A_6 = tpu.memref_slice %arg6[%dma_wait3A, %dma_wait3A_5] : memref<100000x768xf32, #tpu.memory_space<hbm>> -> memref<100000x768xf32, #tpu.memory_space<hbm>>
    tpu.wait_indirect_dma semaphore(%arg14 : memref<!tpu.dma_semaphore, #tpu.memory_space<semaphore_mem>>) src(%dma_wait3A_6 : memref<100000x768xf32, #tpu.memory_space<hbm>>) dst(%arg12 : memref<32x768xf32, #tpu.memory_space<vmem>>)
    %barrier3A = arith.constant 0 : index
    tpu.barrier barrier_id(%barrier3A)
    %scan3A = arith.constant 0 : i32
    %scan3A_7 = arith.constant 0 : i32
    %scan3A_8 = arith.constant 32 : i32
    %scan3A_9 = arith.addi %scan3A_7, %scan3A_8 : i32
    %scan3A_10 = arith.constant 1 : i32
    scf.for %scan3A_53 = %scan3A_7 to %scan3A_9 step %scan3A_10  : i32 {
      %get3A_54 = arith.index_cast %scan3A_53 : i32 to index
      %get3A_55 = arith.constant 0 : index
      %get3A_56 = tpu.vector_load %arg12[%get3A_54, %get3A_55] {strides = array<i32>} : memref<32x768xf32, #tpu.memory_space<vmem>>, vector<1x16xf32>,
      %get3A_57 = vector.shape_cast %get3A_56 : vector<1x16xf32> to vector<16xf32>
      %mul3A_58 = arith.constant 0.899999976 : f32
      %mul3A_59 = vector.broadcast %mul3A_58 : f32 to vector<16xf32>
      %mul3A_60 = arith.mulf %get3A_57, %mul3A_59 : vector<16xf32>
      %get3A_61 = arith.index_cast %scan3A_53 : i32 to index
      %get3A_62 = arith.constant 0 : index
      %get3A_63 = tpu.vector_load %arg13[%get3A_61, %get3A_62] {strides = array<i32>} : memref<32x768xf32, #tpu.memory_space<vmem>>, vector<1x16xf32>,
      %get3A_64 = vector.shape_cast %get3A_63 : vector<1x16xf32> to vector<16xf32>
      %mul3A_65 = arith.constant 1.000000e-01 : f32
      %mul3A_66 = vector.broadcast %mul3A_65 : f32 to vector<16xf32>
      %mul3A_67 = arith.mulf %get3A_64, %mul3A_66 : vector<16xf32>
      %add3A_68 = arith.addf %mul3A_60, %mul3A_67 : vector<16xf32>
      %swap3A_69 = arith.index_cast %scan3A_53 : i32 to index
      %swap3A_70 = arith.constant 0 : index
      %swap3A_71 = tpu.vector_load %arg12[%swap3A_69, %swap3A_70] {strides = array<i32>} : memref<32x768xf32, #tpu.memory_space<vmem>>, vector<1x16xf32>,
      %swap3A_72 = vector.shape_cast %swap3A_71 : vector<1x16xf32> to vector<16xf32>
      %swap3A_73 = vector.shape_cast %add3A_68 : vector<16xf32> to vector<1x16xf32>
      tpu.vector_store %arg12[%swap3A_69, %swap3A_70], %swap3A_73 {strides = array<i32>} : memref<32x768xf32, #tpu.memory_space<vmem>>, vector<1x16xf32>,
      %get3A_74 = arith.index_cast %scan3A_53 : i32 to index
      %get3A_75 = arith.constant 16 : index
      %get3A_76 = tpu.vector_load %arg12[%get3A_74, %get3A_75] {strides = array<i32>} : memref<32x768xf32, #tpu.memory_space<vmem>>, vector<1x16xf32>,
      %get3A_77 = vector.shape_cast %get3A_76 : vector<1x16xf32> to vector<16xf32>
      %mul3A_78 = arith.constant 0.899999976 : f32
      %mul3A_79 = vector.broadcast %mul3A_78 : f32 to vector<16xf32>
      %mul3A_80 = arith.mulf %get3A_77, %mul3A_79 : vector<16xf32>
      %get3A_81 = arith.index_cast %scan3A_53 : i32 to index
      %get3A_82 = arith.constant 16 : index
      %get3A_83 = tpu.vector_load %arg13[%get3A_81, %get3A_82] {strides = array<i32>} : memref<32x768xf32, #tpu.memory_space<vmem>>, vector<1x16xf32>,
      %get3A_84 = vector.shape_cast %get3A_83 : vector<1x16xf32> to vector<16xf32>
      %mul3A_85 = arith.constant 1.000000e-01 : f32
      %mul3A_86 = vector.broadcast %mul3A_85 : f32 to vector<16xf32>
      %mul3A_87 = arith.mulf %get3A_84, %mul3A_86 : vector<16xf32>
      %add3A_88 = arith.addf %mul3A_80, %mul3A_87 : vector<16xf32>
      %swap3A_89 = arith.index_cast %scan3A_53 : i32 to index
      %swap3A_90 = arith.constant 16 : index
      %swap3A_91 = tpu.vector_load %arg12[%swap3A_89, %swap3A_90] {strides = array<i32>} : memref<32x768xf32, #tpu.memory_space<vmem>>, vector<1x16xf32>,
      %swap3A_92 = vector.shape_cast %swap3A_91 : vector<1x16xf32> to vector<16xf32>
      %swap3A_93 = vector.shape_cast %add3A_88 : vector<16xf32> to vector<1x16xf32>
      tpu.vector_store %arg12[%swap3A_89, %swap3A_90], %swap3A_93 {strides = array<i32>} : memref<32x768xf32, #tpu.memory_space<vmem>>, vector<1x16xf32>,
      %get3A_94 = arith.index_cast %scan3A_53 : i32 to index
      %get3A_95 = arith.constant 32 : index
      %get3A_96 = tpu.vector_load %arg12[%get3A_94, %get3A_95] {strides = array<i32>} : memref<32x768xf32, #tpu.memory_space<vmem>>, vector<1x16xf32>,
      %get3A_97 = vector.shape_cast %get3A_96 : vector<1x16xf32> to vector<16xf32>
      %mul3A_98 = arith.constant 0.899999976 : f32
      %mul3A_99 = vector.broadcast %mul3A_98 : f32 to vector<16xf32>
      %mul3A_100 = arith.mulf %get3A_97, %mul3A_99 : vector<16xf32>
      %get3A_101 = arith.index_cast %scan3A_53 : i32 to index
      %get3A_102 = arith.constant 32 : index
      %get3A_103 = tpu.vector_load %arg13[%get3A_101, %get3A_102] {strides = array<i32>} : memref<32x768xf32, #tpu.memory_space<vmem>>, vector<1x16xf32>,
      %get3A_104 = vector.shape_cast %get3A_103 : vector<1x16xf32> to vector<16xf32>
      %mul3A_105 = arith.constant 1.000000e-01 : f32
      %mul3A_106 = vector.broadcast %mul3A_105 : f32 to vector<16xf32>
      %mul3A_107 = arith.mulf %get3A_104, %mul3A_106 : vector<16xf32>
      %add3A_108 = arith.addf %mul3A_100, %mul3A_107 : vector<16xf32>
      %swap3A_109 = arith.index_cast %scan3A_53 : i32 to index
      %swap3A_110 = arith.constant 32 : index
      %swap3A_111 = tpu.vector_load %arg12[%swap3A_109, %swap3A_110] {strides = array<i32>} : memref<32x768xf32, #tpu.memory_space<vmem>>, vector<1x16xf32>,
      %swap3A_112 = vector.shape_cast %swap3A_111 : vector<1x16xf32> to vector<16xf32>
      %swap3A_113 = vector.shape_cast %add3A_108 : vector<16xf32> to vector<1x16xf32>
      tpu.vector_store %arg12[%swap3A_109, %swap3A_110], %swap3A_113 {strides = array<i32>} : memref<32x768xf32, #tpu.memory_space<vmem>>, vector<1x16xf32>,
      %get3A_114 = arith.index_cast %scan3A_53 : i32 to index
      %get3A_115 = arith.constant 48 : index
      %get3A_116 = tpu.vector_load %arg12[%get3A_114, %get3A_115] {strides = array<i32>} : memref<32x768xf32, #tpu.memory_space<vmem>>, vector<1x16xf32>,
      %get3A_117 = vector.shape_cast %get3A_116 : vector<1x16xf32> to vector<16xf32>
      %mul3A_118 = arith.constant 0.899999976 : f32
      %mul3A_119 = vector.broadcast %mul3A_118 : f32 to vector<16xf32>
      %mul3A_120 = arith.mulf %get3A_117, %mul3A_119 : vector<16xf32>
      %get3A_121 = arith.index_cast %scan3A_53 : i32 to index
      %get3A_122 = arith.constant 48 : index
      %get3A_123 = tpu.vector_load %arg13[%get3A_121, %get3A_122] {strides = array<i32>} : memref<32x768xf32, #tpu.memory_space<vmem>>, vector<1x16xf32>,
      %get3A_124 = vector.shape_cast %get3A_123 : vector<1x16xf32> to vector<16xf32>
      %mul3A_125 = arith.constant 1.000000e-01 : f32
      %mul3A_126 = vector.broadcast %mul3A_125 : f32 to vector<16xf32>
      %mul3A_127 = arith.mulf %get3A_124, %mul3A_126 : vector<16xf32>
      %add3A_128 = arith.addf %mul3A_120, %mul3A_127 : vector<16xf32>
      %swap3A_129 = arith.index_cast %scan3A_53 : i32 to index
      %swap3A_130 = arith.constant 48 : index
      %swap3A_131 = tpu.vector_load %arg12[%swap3A_129, %swap3A_130] {strides = array<i32>} : memref<32x768xf32, #tpu.memory_space<vmem>>, vector<1x16xf32>,
      %swap3A_132 = vector.shape_cast %swap3A_131 : vector<1x16xf32> to vector<16xf32>
      %swap3A_133 = vector.shape_cast %add3A_128 : vector<16xf32> to vector<1x16xf32>
      tpu.vector_store %arg12[%swap3A_129, %swap3A_130], %swap3A_133 {strides = array<i32>} : memref<32x768xf32, #tpu.memory_space<vmem>>, vector<1x16xf32>,
      %get3A_134 = arith.index_cast %scan3A_53 : i32 to index
      %get3A_135 = arith.constant 64 : index
      %get3A_136 = tpu.vector_load %arg12[%get3A_134, %get3A_135] {strides = array<i32>} : memref<32x768xf32, #tpu.memory_space<vmem>>, vector<1x16xf32>,
      %get3A_137 = vector.shape_cast %get3A_136 : vector<1x16xf32> to vector<16xf32>
      %mul3A_138 = arith.constant 0.899999976 : f32
      %mul3A_139 = vector.broadcast %mul3A_138 : f32 to vector<16xf32>
      %mul3A_140 = arith.mulf %get3A_137, %mul3A_139 : vector<16xf32>
      %get3A_141 = arith.index_cast %scan3A_53 : i32 to index
      %get3A_142 = arith.constant 64 : index
      %get3A_143 = tpu.vector_load %arg13[%get3A_141, %get3A_142] {strides = array<i32>} : memref<32x768xf32, #tpu.memory_space<vmem>>, vector<1x16xf32>,
      %get3A_144 = vector.shape_cast %get3A_143 : vector<1x16xf32> to vector<16xf32>
      %mul3A_145 = arith.constant 1.000000e-01 : f32
      %mul3A_146 = vector.broadcast %mul3A_145 : f32 to vector<16xf32>
      %mul3A_147 = arith.mulf %get3A_144, %mul3A_146 : vector<16xf32>
      %add3A_148 = arith.addf %mul3A_140, %mul3A_147 : vector<16xf32>
      %swap3A_149 = arith.index_cast %scan3A_53 : i32 to index
      %swap3A_150 = arith.constant 64 : index
      %swap3A_151 = tpu.vector_load %arg12[%swap3A_149, %swap3A_150] {strides = array<i32>} : memref<32x768xf32, #tpu.memory_space<vmem>>, vector<1x16xf32>,
      %swap3A_152 = vector.shape_cast %swap3A_151 : vector<1x16xf32> to vector<16xf32>
      %swap3A_153 = vector.shape_cast %add3A_148 : vector<16xf32> to vector<1x16xf32>
      tpu.vector_store %arg12[%swap3A_149, %swap3A_150], %swap3A_153 {strides = array<i32>} : memref<32x768xf32, #tpu.memory_space<vmem>>, vector<1x16xf32>,
      %get3A_154 = arith.index_cast %scan3A_53 : i32 to index
      %get3A_155 = arith.constant 80 : index
      %get3A_156 = tpu.vector_load %arg12[%get3A_154, %get3A_155] {strides = array<i32>} : memref<32x768xf32, #tpu.memory_space<vmem>>, vector<1x16xf32>,
      %get3A_157 = vector.shape_cast %get3A_156 : vector<1x16xf32> to vector<16xf32>
      %mul3A_158 = arith.constant 0.899999976 : f32
      %mul3A_159 = vector.broadcast %mul3A_158 : f32 to vector<16xf32>
      %mul3A_160 = arith.mulf %get3A_157, %mul3A_159 : vector<16xf32>
      %get3A_161 = arith.index_cast %scan3A_53 : i32 to index
      %get3A_162 = arith.constant 80 : index
      %get3A_163 = tpu.vector_load %arg13[%get3A_161, %get3A_162] {strides = array<i32>} : memref<32x768xf32, #tpu.memory_space<vmem>>, vector<1x16xf32>,
      %get3A_164 = vector.shape_cast %get3A_163 : vector<1x16xf32> to vector<16xf32>
      %mul3A_165 = arith.constant 1.000000e-01 : f32
      %mul3A_166 = vector.broadcast %mul3A_165 : f32 to vector<16xf32>
      %mul3A_167 = arith.mulf %get3A_164, %mul3A_166 : vector<16xf32>
      %add3A_168 = arith.addf %mul3A_160, %mul3A_167 : vector<16xf32>
      %swap3A_169 = arith.index_cast %scan3A_53 : i32 to index
      %swap3A_170 = arith.constant 80 : index
      %swap3A_171 = tpu.vector_load %arg12[%swap3A_169, %swap3A_170] {strides = array<i32>} : memref<32x768xf32, #tpu.memory_space<vmem>>, vector<1x16xf32>,
      %swap3A_172 = vector.shape_cast %swap3A_171 : vector<1x16xf32> to vector<16xf32>
      %swap3A_173 = vector.shape_cast %add3A_168 : vector<16xf32> to vector<1x16xf32>
      tpu.vector_store %arg12[%swap3A_169, %swap3A_170], %swap3A_173 {strides = array<i32>} : memref<32x768xf32, #tpu.memory_space<vmem>>, vector<1x16xf32>,
      %get3A_174 = arith.index_cast %scan3A_53 : i32 to index
      %get3A_175 = arith.constant 96 : index
      %get3A_176 = tpu.vector_load %arg12[%get3A_174, %get3A_175] {strides = array<i32>} : memref<32x768xf32, #tpu.memory_space<vmem>>, vector<1x16xf32>,
      %get3A_177 = vector.shape_cast %get3A_176 : vector<1x16xf32> to vector<16xf32>
      %mul3A_178 = arith.constant 0.899999976 : f32
      %mul3A_179 = vector.broadcast %mul3A_178 : f32 to vector<16xf32>
      %mul3A_180 = arith.mulf %get3A_177, %mul3A_179 : vector<16xf32>
      %get3A_181 = arith.index_cast %scan3A_53 : i32 to index
      %get3A_182 = arith.constant 96 : index
      %get3A_183 = tpu.vector_load %arg13[%get3A_181, %get3A_182] {strides = array<i32>} : memref<32x768xf32, #tpu.memory_space<vmem>>, vector<1x16xf32>,
      %get3A_184 = vector.shape_cast %get3A_183 : vector<1x16xf32> to vector<16xf32>
      %mul3A_185 = arith.constant 1.000000e-01 : f32
      %mul3A_186 = vector.broadcast %mul3A_185 : f32 to vector<16xf32>
      %mul3A_187 = arith.mulf %get3A_184, %mul3A_186 : vector<16xf32>
      %add3A_188 = arith.addf %mul3A_180, %mul3A_187 : vector<16xf32>
      %swap3A_189 = arith.index_cast %scan3A_53 : i32 to index
      %swap3A_190 = arith.constant 96 : index
      %swap3A_191 = tpu.vector_load %arg12[%swap3A_189, %swap3A_190] {strides = array<i32>} : memref<32x768xf32, #tpu.memory_space<vmem>>, vector<1x16xf32>,
      %swap3A_192 = vector.shape_cast %swap3A_191 : vector<1x16xf32> to vector<16xf32>
      %swap3A_193 = vector.shape_cast %add3A_188 : vector<16xf32> to vector<1x16xf32>
      tpu.vector_store %arg12[%swap3A_189, %swap3A_190], %swap3A_193 {strides = array<i32>} : memref<32x768xf32, #tpu.memory_space<vmem>>, vector<1x16xf32>,
      %get3A_194 = arith.index_cast %scan3A_53 : i32 to index
      %get3A_195 = arith.constant 112 : index
      %get3A_196 = tpu.vector_load %arg12[%get3A_194, %get3A_195] {strides = array<i32>} : memref<32x768xf32, #tpu.memory_space<vmem>>, vector<1x16xf32>,
      %get3A_197 = vector.shape_cast %get3A_196 : vector<1x16xf32> to vector<16xf32>
      %mul3A_198 = arith.constant 0.899999976 : f32
      %mul3A_199 = vector.broadcast %mul3A_198 : f32 to vector<16xf32>
      %mul3A_200 = arith.mulf %get3A_197, %mul3A_199 : vector<16xf32>
      %get3A_201 = arith.index_cast %scan3A_53 : i32 to index
      %get3A_202 = arith.constant 112 : index
      %get3A_203 = tpu.vector_load %arg13[%get3A_201, %get3A_202] {strides = array<i32>} : memref<32x768xf32, #tpu.memory_space<vmem>>, vector<1x16xf32>,
      %get3A_204 = vector.shape_cast %get3A_203 : vector<1x16xf32> to vector<16xf32>
      %mul3A_205 = arith.constant 1.000000e-01 : f32
      %mul3A_206 = vector.broadcast %mul3A_205 : f32 to vector<16xf32>
      %mul3A_207 = arith.mulf %get3A_204, %mul3A_206 : vector<16xf32>
      %add3A_208 = arith.addf %mul3A_200, %mul3A_207 : vector<16xf32>
      %swap3A_209 = arith.index_cast %scan3A_53 : i32 to index
      %swap3A_210 = arith.constant 112 : index
      %swap3A_211 = tpu.vector_load %arg12[%swap3A_209, %swap3A_210] {strides = array<i32>} : memref<32x768xf32, #tpu.memory_space<vmem>>, vector<1x16xf32>,
      %swap3A_212 = vector.shape_cast %swap3A_211 : vector<1x16xf32> to vector<16xf32>
      %swap3A_213 = vector.shape_cast %add3A_208 : vector<16xf32> to vector<1x16xf32>
      tpu.vector_store %arg12[%swap3A_209, %swap3A_210], %swap3A_213 {strides = array<i32>} : memref<32x768xf32, #tpu.memory_space<vmem>>, vector<1x16xf32>,
      %get3A_214 = arith.index_cast %scan3A_53 : i32 to index
      %get3A_215 = arith.constant 128 : index
      %get3A_216 = tpu.vector_load %arg12[%get3A_214, %get3A_215] {strides = array<i32>} : memref<32x768xf32, #tpu.memory_space<vmem>>, vector<1x16xf32>,
      %get3A_217 = vector.shape_cast %get3A_216 : vector<1x16xf32> to vector<16xf32>
      %mul3A_218 = arith.constant 0.899999976 : f32
      %mul3A_219 = vector.broadcast %mul3A_218 : f32 to vector<16xf32>
      %mul3A_220 = arith.mulf %get3A_217, %mul3A_219 : vector<16xf32>
      %get3A_221 = arith.index_cast %scan3A_53 : i32 to index
      %get3A_222 = arith.constant 128 : index
      %get3A_223 = tpu.vector_load %arg13[%get3A_221, %get3A_222] {strides = array<i32>} : memref<32x768xf32, #tpu.memory_space<vmem>>, vector<1x16xf32>,
      %get3A_224 = vector.shape_cast %get3A_223 : vector<1x16xf32> to vector<16xf32>
      %mul3A_225 = arith.constant 1.000000e-01 : f32
      %mul3A_226 = vector.broadcast %mul3A_225 : f32 to vector<16xf32>
      %mul3A_227 = arith.mulf %get3A_224, %mul3A_226 : vector<16xf32>
      %add3A_228 = arith.addf %mul3A_220, %mul3A_227 : vector<16xf32>
      %swap3A_229 = arith.index_cast %scan3A_53 : i32 to index
      %swap3A_230 = arith.constant 128 : index
      %swap3A_231 = tpu.vector_load %arg12[%swap3A_229, %swap3A_230] {strides = array<i32>} : memref<32x768xf32, #tpu.memory_space<vmem>>, vector<1x16xf32>,
      %swap3A_232 = vector.shape_cast %swap3A_231 : vector<1x16xf32> to vector<16xf32>
      %swap3A_233 = vector.shape_cast %add3A_228 : vector<16xf32> to vector<1x16xf32>
      tpu.vector_store %arg12[%swap3A_229, %swap3A_230], %swap3A_233 {strides = array<i32>} : memref<32x768xf32, #tpu.memory_space<vmem>>, vector<1x16xf32>,
      %get3A_234 = arith.index_cast %scan3A_53 : i32 to index
      %get3A_235 = arith.constant 144 : index
      %get3A_236 = tpu.vector_load %arg12[%get3A_234, %get3A_235] {strides = array<i32>} : memref<32x768xf32, #tpu.memory_space<vmem>>, vector<1x16xf32>,
      %get3A_237 = vector.shape_cast %get3A_236 : vector<1x16xf32> to vector<16xf32>
      %mul3A_238 = arith.constant 0.899999976 : f32
      %mul3A_239 = vector.broadcast %mul3A_238 : f32 to vector<16xf32>
      %mul3A_240 = arith.mulf %get3A_237, %mul3A_239 : vector<16xf32>
      %get3A_241 = arith.index_cast %scan3A_53 : i32 to index
      %get3A_242 = arith.constant 144 : index
      %get3A_243 = tpu.vector_load %arg13[%get3A_241, %get3A_242] {strides = array<i32>} : memref<32x768xf32, #tpu.memory_space<vmem>>, vector<1x16xf32>,
      %get3A_244 = vector.shape_cast %get3A_243 : vector<1x16xf32> to vector<16xf32>
      %mul3A_245 = arith.constant 1.000000e-01 : f32
      %mul3A_246 = vector.broadcast %mul3A_245 : f32 to vector<16xf32>
      %mul3A_247 = arith.mulf %get3A_244, %mul3A_246 : vector<16xf32>
      %add3A_248 = arith.addf %mul3A_240, %mul3A_247 : vector<16xf32>
      %swap3A_249 = arith.index_cast %scan3A_53 : i32 to index
      %swap3A_250 = arith.constant 144 : index
      %swap3A_251 = tpu.vector_load %arg12[%swap3A_249, %swap3A_250] {strides = array<i32>} : memref<32x768xf32, #tpu.memory_space<vmem>>, vector<1x16xf32>,
      %swap3A_252 = vector.shape_cast %swap3A_251 : vector<1x16xf32> to vector<16xf32>
      %swap3A_253 = vector.shape_cast %add3A_248 : vector<16xf32> to vector<1x16xf32>
      tpu.vector_store %arg12[%swap3A_249, %swap3A_250], %swap3A_253 {strides = array<i32>} : memref<32x768xf32, #tpu.memory_space<vmem>>, vector<1x16xf32>,
      %get3A_254 = arith.index_cast %scan3A_53 : i32 to index
      %get3A_255 = arith.constant 160 : index
      %get3A_256 = tpu.vector_load %arg12[%get3A_254, %get3A_255] {strides = array<i32>} : memref<32x768xf32, #tpu.memory_space<vmem>>, vector<1x16xf32>,
      %get3A_257 = vector.shape_cast %get3A_256 : vector<1x16xf32> to vector<16xf32>
      %mul3A_258 = arith.constant 0.899999976 : f32
      %mul3A_259 = vector.broadcast %mul3A_258 : f32 to vector<16xf32>
      %mul3A_260 = arith.mulf %get3A_257, %mul3A_259 : vector<16xf32>
      %get3A_261 = arith.index_cast %scan3A_53 : i32 to index
      %get3A_262 = arith.constant 160 : index
      %get3A_263 = tpu.vector_load %arg13[%get3A_261, %get3A_262] {strides = array<i32>} : memref<32x768xf32, #tpu.memory_space<vmem>>, vector<1x16xf32>,
      %get3A_264 = vector.shape_cast %get3A_263 : vector<1x16xf32> to vector<16xf32>
      %mul3A_265 = arith.constant 1.000000e-01 : f32
      %mul3A_266 = vector.broadcast %mul3A_265 : f32 to vector<16xf32>
      %mul3A_267 = arith.mulf %get3A_264, %mul3A_266 : vector<16xf32>
      %add3A_268 = arith.addf %mul3A_260, %mul3A_267 : vector<16xf32>
      %swap3A_269 = arith.index_cast %scan3A_53 : i32 to index
      %swap3A_270 = arith.constant 160 : index
      %swap3A_271 = tpu.vector_load %arg12[%swap3A_269, %swap3A_270] {strides = array<i32>} : memref<32x768xf32, #tpu.memory_space<vmem>>, vector<1x16xf32>,
      %swap3A_272 = vector.shape_cast %swap3A_271 : vector<1x16xf32> to vector<16xf32>
      %swap3A_273 = vector.shape_cast %add3A_268 : vector<16xf32> to vector<1x16xf32>
      tpu.vector_store %arg12[%swap3A_269, %swap3A_270], %swap3A_273 {strides = array<i32>} : memref<32x768xf32, #tpu.memory_space<vmem>>, vector<1x16xf32>,
      %get3A_274 = arith.index_cast %scan3A_53 : i32 to index
      %get3A_275 = arith.constant 176 : index
      %get3A_276 = tpu.vector_load %arg12[%get3A_274, %get3A_275] {strides = array<i32>} : memref<32x768xf32, #tpu.memory_space<vmem>>, vector<1x16xf32>,
      %get3A_277 = vector.shape_cast %get3A_276 : vector<1x16xf32> to vector<16xf32>
      %mul3A_278 = arith.constant 0.899999976 : f32
      %mul3A_279 = vector.broadcast %mul3A_278 : f32 to vector<16xf32>
      %mul3A_280 = arith.mulf %get3A_277, %mul3A_279 : vector<16xf32>
      %get3A_281 = arith.index_cast %scan3A_53 : i32 to index
      %get3A_282 = arith.constant 176 : index
      %get3A_283 = tpu.vector_load %arg13[%get3A_281, %get3A_282] {strides = array<i32>} : memref<32x768xf32, #tpu.memory_space<vmem>>, vector<1x16xf32>,
      %get3A_284 = vector.shape_cast %get3A_283 : vector<1x16xf32> to vector<16xf32>
      %mul3A_285 = arith.constant 1.000000e-01 : f32
      %mul3A_286 = vector.broadcast %mul3A_285 : f32 to vector<16xf32>
      %mul3A_287 = arith.mulf %get3A_284, %mul3A_286 : vector<16xf32>
      %add3A_288 = arith.addf %mul3A_280, %mul3A_287 : vector<16xf32>
      %swap3A_289 = arith.index_cast %scan3A_53 : i32 to index
      %swap3A_290 = arith.constant 176 : index
      %swap3A_291 = tpu.vector_load %arg12[%swap3A_289, %swap3A_290] {strides = array<i32>} : memref<32x768xf32, #tpu.memory_space<vmem>>, vector<1x16xf32>,
      %swap3A_292 = vector.shape_cast %swap3A_291 : vector<1x16xf32> to vector<16xf32>
      %swap3A_293 = vector.shape_cast %add3A_288 : vector<16xf32> to vector<1x16xf32>
      tpu.vector_store %arg12[%swap3A_289, %swap3A_290], %swap3A_293 {strides = array<i32>} : memref<32x768xf32, #tpu.memory_space<vmem>>, vector<1x16xf32>,
      %get3A_294 = arith.index_cast %scan3A_53 : i32 to index
      %get3A_295 = arith.constant 192 : index
      %get3A_296 = tpu.vector_load %arg12[%get3A_294, %get3A_295] {strides = array<i32>} : memref<32x768xf32, #tpu.memory_space<vmem>>, vector<1x16xf32>,
      %get3A_297 = vector.shape_cast %get3A_296 : vector<1x16xf32> to vector<16xf32>
      %mul3A_298 = arith.constant 0.899999976 : f32
      %mul3A_299 = vector.broadcast %mul3A_298 : f32 to vector<16xf32>
      %mul3A_300 = arith.mulf %get3A_297, %mul3A_299 : vector<16xf32>
      %get3A_301 = arith.index_cast %scan3A_53 : i32 to index
      %get3A_302 = arith.constant 192 : index
      %get3A_303 = tpu.vector_load %arg13[%get3A_301, %get3A_302] {strides = array<i32>} : memref<32x768xf32, #tpu.memory_space<vmem>>, vector<1x16xf32>,
      %get3A_304 = vector.shape_cast %get3A_303 : vector<1x16xf32> to vector<16xf32>
      %mul3A_305 = arith.constant 1.000000e-01 : f32
      %mul3A_306 = vector.broadcast %mul3A_305 : f32 to vector<16xf32>
      %mul3A_307 = arith.mulf %get3A_304, %mul3A_306 : vector<16xf32>
      %add3A_308 = arith.addf %mul3A_300, %mul3A_307 : vector<16xf32>
      %swap3A_309 = arith.index_cast %scan3A_53 : i32 to index
      %swap3A_310 = arith.constant 192 : index
      %swap3A_311 = tpu.vector_load %arg12[%swap3A_309, %swap3A_310] {strides = array<i32>} : memref<32x768xf32, #tpu.memory_space<vmem>>, vector<1x16xf32>,
      %swap3A_312 = vector.shape_cast %swap3A_311 : vector<1x16xf32> to vector<16xf32>
      %swap3A_313 = vector.shape_cast %add3A_308 : vector<16xf32> to vector<1x16xf32>
      tpu.vector_store %arg12[%swap3A_309, %swap3A_310], %swap3A_313 {strides = array<i32>} : memref<32x768xf32, #tpu.memory_space<vmem>>, vector<1x16xf32>,
      %get3A_314 = arith.index_cast %scan3A_53 : i32 to index
      %get3A_315 = arith.constant 208 : index
      %get3A_316 = tpu.vector_load %arg12[%get3A_314, %get3A_315] {strides = array<i32>} : memref<32x768xf32, #tpu.memory_space<vmem>>, vector<1x16xf32>,
      %get3A_317 = vector.shape_cast %get3A_316 : vector<1x16xf32> to vector<16xf32>
      %mul3A_318 = arith.constant 0.899999976 : f32
      %mul3A_319 = vector.broadcast %mul3A_318 : f32 to vector<16xf32>
      %mul3A_320 = arith.mulf %get3A_317, %mul3A_319 : vector<16xf32>
      %get3A_321 = arith.index_cast %scan3A_53 : i32 to index
      %get3A_322 = arith.constant 208 : index
      %get3A_323 = tpu.vector_load %arg13[%get3A_321, %get3A_322] {strides = array<i32>} : memref<32x768xf32, #tpu.memory_space<vmem>>, vector<1x16xf32>,
      %get3A_324 = vector.shape_cast %get3A_323 : vector<1x16xf32> to vector<16xf32>
      %mul3A_325 = arith.constant 1.000000e-01 : f32
      %mul3A_326 = vector.broadcast %mul3A_325 : f32 to vector<16xf32>
      %mul3A_327 = arith.mulf %get3A_324, %mul3A_326 : vector<16xf32>
      %add3A_328 = arith.addf %mul3A_320, %mul3A_327 : vector<16xf32>
      %swap3A_329 = arith.index_cast %scan3A_53 : i32 to index
      %swap3A_330 = arith.constant 208 : index
      %swap3A_331 = tpu.vector_load %arg12[%swap3A_329, %swap3A_330] {strides = array<i32>} : memref<32x768xf32, #tpu.memory_space<vmem>>, vector<1x16xf32>,
      %swap3A_332 = vector.shape_cast %swap3A_331 : vector<1x16xf32> to vector<16xf32>
      %swap3A_333 = vector.shape_cast %add3A_328 : vector<16xf32> to vector<1x16xf32>
      tpu.vector_store %arg12[%swap3A_329, %swap3A_330], %swap3A_333 {strides = array<i32>} : memref<32x768xf32, #tpu.memory_space<vmem>>, vector<1x16xf32>,
      %get3A_334 = arith.index_cast %scan3A_53 : i32 to index
      %get3A_335 = arith.constant 224 : index
      %get3A_336 = tpu.vector_load %arg12[%get3A_334, %get3A_335] {strides = array<i32>} : memref<32x768xf32, #tpu.memory_space<vmem>>, vector<1x16xf32>,
      %get3A_337 = vector.shape_cast %get3A_336 : vector<1x16xf32> to vector<16xf32>
      %mul3A_338 = arith.constant 0.899999976 : f32
      %mul3A_339 = vector.broadcast %mul3A_338 : f32 to vector<16xf32>
      %mul3A_340 = arith.mulf %get3A_337, %mul3A_339 : vector<16xf32>
      %get3A_341 = arith.index_cast %scan3A_53 : i32 to index
      %get3A_342 = arith.constant 224 : index
      %get3A_343 = tpu.vector_load %arg13[%get3A_341, %get3A_342] {strides = array<i32>} : memref<32x768xf32, #tpu.memory_space<vmem>>, vector<1x16xf32>,
      %get3A_344 = vector.shape_cast %get3A_343 : vector<1x16xf32> to vector<16xf32>
      %mul3A_345 = arith.constant 1.000000e-01 : f32
      %mul3A_346 = vector.broadcast %mul3A_345 : f32 to vector<16xf32>
      %mul3A_347 = arith.mulf %get3A_344, %mul3A_346 : vector<16xf32>
      %add3A_348 = arith.addf %mul3A_340, %mul3A_347 : vector<16xf32>
      %swap3A_349 = arith.index_cast %scan3A_53 : i32 to index
      %swap3A_350 = arith.constant 224 : index
      %swap3A_351 = tpu.vector_load %arg12[%swap3A_349, %swap3A_350] {strides = array<i32>} : memref<32x768xf32, #tpu.memory_space<vmem>>, vector<1x16xf32>,
      %swap3A_352 = vector.shape_cast %swap3A_351 : vector<1x16xf32> to vector<16xf32>
      %swap3A_353 = vector.shape_cast %add3A_348 : vector<16xf32> to vector<1x16xf32>
      tpu.vector_store %arg12[%swap3A_349, %swap3A_350], %swap3A_353 {strides = array<i32>} : memref<32x768xf32, #tpu.memory_space<vmem>>, vector<1x16xf32>,
      %get3A_354 = arith.index_cast %scan3A_53 : i32 to index
      %get3A_355 = arith.constant 240 : index
      %get3A_356 = tpu.vector_load %arg12[%get3A_354, %get3A_355] {strides = array<i32>} : memref<32x768xf32, #tpu.memory_space<vmem>>, vector<1x16xf32>,
      %get3A_357 = vector.shape_cast %get3A_356 : vector<1x16xf32> to vector<16xf32>
      %mul3A_358 = arith.constant 0.899999976 : f32
      %mul3A_359 = vector.broadcast %mul3A_358 : f32 to vector<16xf32>
      %mul3A_360 = arith.mulf %get3A_357, %mul3A_359 : vector<16xf32>
      %get3A_361 = arith.index_cast %scan3A_53 : i32 to index
      %get3A_362 = arith.constant 240 : index
      %get3A_363 = tpu.vector_load %arg13[%get3A_361, %get3A_362] {strides = array<i32>} : memref<32x768xf32, #tpu.memory_space<vmem>>, vector<1x16xf32>,
      %get3A_364 = vector.shape_cast %get3A_363 : vector<1x16xf32> to vector<16xf32>
      %mul3A_365 = arith.constant 1.000000e-01 : f32
      %mul3A_366 = vector.broadcast %mul3A_365 : f32 to vector<16xf32>
      %mul3A_367 = arith.mulf %get3A_364, %mul3A_366 : vector<16xf32>
      %add3A_368 = arith.addf %mul3A_360, %mul3A_367 : vector<16xf32>
      %swap3A_369 = arith.index_cast %scan3A_53 : i32 to index
      %swap3A_370 = arith.constant 240 : index
      %swap3A_371 = tpu.vector_load %arg12[%swap3A_369, %swap3A_370] {strides = array<i32>} : memref<32x768xf32, #tpu.memory_space<vmem>>, vector<1x16xf32>,
      %swap3A_372 = vector.shape_cast %swap3A_371 : vector<1x16xf32> to vector<16xf32>
      %swap3A_373 = vector.shape_cast %add3A_368 : vector<16xf32> to vector<1x16xf32>
      tpu.vector_store %arg12[%swap3A_369, %swap3A_370], %swap3A_373 {strides = array<i32>} : memref<32x768xf32, #tpu.memory_space<vmem>>, vector<1x16xf32>,
      %get3A_374 = arith.index_cast %scan3A_53 : i32 to index
      %get3A_375 = arith.constant 256 : index
      %get3A_376 = tpu.vector_load %arg12[%get3A_374, %get3A_375] {strides = array<i32>} : memref<32x768xf32, #tpu.memory_space<vmem>>, vector<1x16xf32>,
      %get3A_377 = vector.shape_cast %get3A_376 : vector<1x16xf32> to vector<16xf32>
      %mul3A_378 = arith.constant 0.899999976 : f32
      %mul3A_379 = vector.broadcast %mul3A_378 : f32 to vector<16xf32>
      %mul3A_380 = arith.mulf %get3A_377, %mul3A_379 : vector<16xf32>
      %get3A_381 = arith.index_cast %scan3A_53 : i32 to index
      %get3A_382 = arith.constant 256 : index
      %get3A_383 = tpu.vector_load %arg13[%get3A_381, %get3A_382] {strides = array<i32>} : memref<32x768xf32, #tpu.memory_space<vmem>>, vector<1x16xf32>,
      %get3A_384 = vector.shape_cast %get3A_383 : vector<1x16xf32> to vector<16xf32>
      %mul3A_385 = arith.constant 1.000000e-01 : f32
      %mul3A_386 = vector.broadcast %mul3A_385 : f32 to vector<16xf32>
      %mul3A_387 = arith.mulf %get3A_384, %mul3A_386 : vector<16xf32>
      %add3A_388 = arith.addf %mul3A_380, %mul3A_387 : vector<16xf32>
      %swap3A_389 = arith.index_cast %scan3A_53 : i32 to index
      %swap3A_390 = arith.constant 256 : index
      %swap3A_391 = tpu.vector_load %arg12[%swap3A_389, %swap3A_390] {strides = array<i32>} : memref<32x768xf32, #tpu.memory_space<vmem>>, vector<1x16xf32>,
      %swap3A_392 = vector.shape_cast %swap3A_391 : vector<1x16xf32> to vector<16xf32>
      %swap3A_393 = vector.shape_cast %add3A_388 : vector<16xf32> to vector<1x16xf32>
      tpu.vector_store %arg12[%swap3A_389, %swap3A_390], %swap3A_393 {strides = array<i32>} : memref<32x768xf32, #tpu.memory_space<vmem>>, vector<1x16xf32>,
      %get3A_394 = arith.index_cast %scan3A_53 : i32 to index
      %get3A_395 = arith.constant 272 : index
      %get3A_396 = tpu.vector_load %arg12[%get3A_394, %get3A_395] {strides = array<i32>} : memref<32x768xf32, #tpu.memory_space<vmem>>, vector<1x16xf32>,
      %get3A_397 = vector.shape_cast %get3A_396 : vector<1x16xf32> to vector<16xf32>
      %mul3A_398 = arith.constant 0.899999976 : f32
      %mul3A_399 = vector.broadcast %mul3A_398 : f32 to vector<16xf32>
      %mul3A_400 = arith.mulf %get3A_397, %mul3A_399 : vector<16xf32>
      %get3A_401 = arith.index_cast %scan3A_53 : i32 to index
      %get3A_402 = arith.constant 272 : index
      %get3A_403 = tpu.vector_load %arg13[%get3A_401, %get3A_402] {strides = array<i32>} : memref<32x768xf32, #tpu.memory_space<vmem>>, vector<1x16xf32>,
      %get3A_404 = vector.shape_cast %get3A_403 : vector<1x16xf32> to vector<16xf32>
      %mul3A_405 = arith.constant 1.000000e-01 : f32
      %mul3A_406 = vector.broadcast %mul3A_405 : f32 to vector<16xf32>
      %mul3A_407 = arith.mulf %get3A_404, %mul3A_406 : vector<16xf32>
      %add3A_408 = arith.addf %mul3A_400, %mul3A_407 : vector<16xf32>
      %swap3A_409 = arith.index_cast %scan3A_53 : i32 to index
      %swap3A_410 = arith.constant 272 : index
      %swap3A_411 = tpu.vector_load %arg12[%swap3A_409, %swap3A_410] {strides = array<i32>} : memref<32x768xf32, #tpu.memory_space<vmem>>, vector<1x16xf32>,
      %swap3A_412 = vector.shape_cast %swap3A_411 : vector<1x16xf32> to vector<16xf32>
      %swap3A_413 = vector.shape_cast %add3A_408 : vector<16xf32> to vector<1x16xf32>
      tpu.vector_store %arg12[%swap3A_409, %swap3A_410], %swap3A_413 {strides = array<i32>} : memref<32x768xf32, #tpu.memory_space<vmem>>, vector<1x16xf32>,
      %get3A_414 = arith.index_cast %scan3A_53 : i32 to index
      %get3A_415 = arith.constant 288 : index
      %get3A_416 = tpu.vector_load %arg12[%get3A_414, %get3A_415] {strides = array<i32>} : memref<32x768xf32, #tpu.memory_space<vmem>>, vector<1x16xf32>,
      %get3A_417 = vector.shape_cast %get3A_416 : vector<1x16xf32> to vector<16xf32>
      %mul3A_418 = arith.constant 0.899999976 : f32
      %mul3A_419 = vector.broadcast %mul3A_418 : f32 to vector<16xf32>
      %mul3A_420 = arith.mulf %get3A_417, %mul3A_419 : vector<16xf32>
      %get3A_421 = arith.index_cast %scan3A_53 : i32 to index
      %get3A_422 = arith.constant 288 : index
      %get3A_423 = tpu.vector_load %arg13[%get3A_421, %get3A_422] {strides = array<i32>} : memref<32x768xf32, #tpu.memory_space<vmem>>, vector<1x16xf32>,
      %get3A_424 = vector.shape_cast %get3A_423 : vector<1x16xf32> to vector<16xf32>
      %mul3A_425 = arith.constant 1.000000e-01 : f32
      %mul3A_426 = vector.broadcast %mul3A_425 : f32 to vector<16xf32>
      %mul3A_427 = arith.mulf %get3A_424, %mul3A_426 : vector<16xf32>
      %add3A_428 = arith.addf %mul3A_420, %mul3A_427 : vector<16xf32>
      %swap3A_429 = arith.index_cast %scan3A_53 : i32 to index
      %swap3A_430 = arith.constant 288 : index
      %swap3A_431 = tpu.vector_load %arg12[%swap3A_429, %swap3A_430] {strides = array<i32>} : memref<32x768xf32, #tpu.memory_space<vmem>>, vector<1x16xf32>,
      %swap3A_432 = vector.shape_cast %swap3A_431 : vector<1x16xf32> to vector<16xf32>
      %swap3A_433 = vector.shape_cast %add3A_428 : vector<16xf32> to vector<1x16xf32>
      tpu.vector_store %arg12[%swap3A_429, %swap3A_430], %swap3A_433 {strides = array<i32>} : memref<32x768xf32, #tpu.memory_space<vmem>>, vector<1x16xf32>,
      %get3A_434 = arith.index_cast %scan3A_53 : i32 to index
      %get3A_435 = arith.constant 304 : index
      %get3A_436 = tpu.vector_load %arg12[%get3A_434, %get3A_435] {strides = array<i32>} : memref<32x768xf32, #tpu.memory_space<vmem>>, vector<1x16xf32>,
      %get3A_437 = vector.shape_cast %get3A_436 : vector<1x16xf32> to vector<16xf32>
      %mul3A_438 = arith.constant 0.899999976 : f32
      %mul3A_439 = vector.broadcast %mul3A_438 : f32 to vector<16xf32>
      %mul3A_440 = arith.mulf %get3A_437, %mul3A_439 : vector<16xf32>
      %get3A_441 = arith.index_cast %scan3A_53 : i32 to index
      %get3A_442 = arith.constant 304 : index
      %get3A_443 = tpu.vector_load %arg13[%get3A_441, %get3A_442] {strides = array<i32>} : memref<32x768xf32, #tpu.memory_space<vmem>>, vector<1x16xf32>,
      %get3A_444 = vector.shape_cast %get3A_443 : vector<1x16xf32> to vector<16xf32>
      %mul3A_445 = arith.constant 1.000000e-01 : f32
      %mul3A_446 = vector.broadcast %mul3A_445 : f32 to vector<16xf32>
      %mul3A_447 = arith.mulf %get3A_444, %mul3A_446 : vector<16xf32>
      %add3A_448 = arith.addf %mul3A_440, %mul3A_447 : vector<16xf32>
      %swap3A_449 = arith.index_cast %scan3A_53 : i32 to index
      %swap3A_450 = arith.constant 304 : index
      %swap3A_451 = tpu.vector_load %arg12[%swap3A_449, %swap3A_450] {strides = array<i32>} : memref<32x768xf32, #tpu.memory_space<vmem>>, vector<1x16xf32>,
      %swap3A_452 = vector.shape_cast %swap3A_451 : vector<1x16xf32> to vector<16xf32>
      %swap3A_453 = vector.shape_cast %add3A_448 : vector<16xf32> to vector<1x16xf32>
      tpu.vector_store %arg12[%swap3A_449, %swap3A_450], %swap3A_453 {strides = array<i32>} : memref<32x768xf32, #tpu.memory_space<vmem>>, vector<1x16xf32>,
      %get3A_454 = arith.index_cast %scan3A_53 : i32 to index
      %get3A_455 = arith.constant 320 : index
      %get3A_456 = tpu.vector_load %arg12[%get3A_454, %get3A_455] {strides = array<i32>} : memref<32x768xf32, #tpu.memory_space<vmem>>, vector<1x16xf32>,
      %get3A_457 = vector.shape_cast %get3A_456 : vector<1x16xf32> to vector<16xf32>
      %mul3A_458 = arith.constant 0.899999976 : f32
      %mul3A_459 = vector.broadcast %mul3A_458 : f32 to vector<16xf32>
      %mul3A_460 = arith.mulf %get3A_457, %mul3A_459 : vector<16xf32>
      %get3A_461 = arith.index_cast %scan3A_53 : i32 to index
      %get3A_462 = arith.constant 320 : index
      %get3A_463 = tpu.vector_load %arg13[%get3A_461, %get3A_462] {strides = array<i32>} : memref<32x768xf32, #tpu.memory_space<vmem>>, vector<1x16xf32>,
      %get3A_464 = vector.shape_cast %get3A_463 : vector<1x16xf32> to vector<16xf32>
      %mul3A_465 = arith.constant 1.000000e-01 : f32
      %mul3A_466 = vector.broadcast %mul3A_465 : f32 to vector<16xf32>
      %mul3A_467 = arith.mulf %get3A_464, %mul3A_466 : vector<16xf32>
      %add3A_468 = arith.addf %mul3A_460, %mul3A_467 : vector<16xf32>
      %swap3A_469 = arith.index_cast %scan3A_53 : i32 to index
      %swap3A_470 = arith.constant 320 : index
      %swap3A_471 = tpu.vector_load %arg12[%swap3A_469, %swap3A_470] {strides = array<i32>} : memref<32x768xf32, #tpu.memory_space<vmem>>, vector<1x16xf32>,
      %swap3A_472 = vector.shape_cast %swap3A_471 : vector<1x16xf32> to vector<16xf32>
      %swap3A_473 = vector.shape_cast %add3A_468 : vector<16xf32> to vector<1x16xf32>
      tpu.vector_store %arg12[%swap3A_469, %swap3A_470], %swap3A_473 {strides = array<i32>} : memref<32x768xf32, #tpu.memory_space<vmem>>, vector<1x16xf32>,
      %get3A_474 = arith.index_cast %scan3A_53 : i32 to index
      %get3A_475 = arith.constant 336 : index
      %get3A_476 = tpu.vector_load %arg12[%get3A_474, %get3A_475] {strides = array<i32>} : memref<32x768xf32, #tpu.memory_space<vmem>>, vector<1x16xf32>,
      %get3A_477 = vector.shape_cast %get3A_476 : vector<1x16xf32> to vector<16xf32>
      %mul3A_478 = arith.constant 0.899999976 : f32
      %mul3A_479 = vector.broadcast %mul3A_478 : f32 to vector<16xf32>
      %mul3A_480 = arith.mulf %get3A_477, %mul3A_479 : vector<16xf32>
      %get3A_481 = arith.index_cast %scan3A_53 : i32 to index
      %get3A_482 = arith.constant 336 : index
      %get3A_483 = tpu.vector_load %arg13[%get3A_481, %get3A_482] {strides = array<i32>} : memref<32x768xf32, #tpu.memory_space<vmem>>, vector<1x16xf32>,
      %get3A_484 = vector.shape_cast %get3A_483 : vector<1x16xf32> to vector<16xf32>
      %mul3A_485 = arith.constant 1.000000e-01 : f32
      %mul3A_486 = vector.broadcast %mul3A_485 : f32 to vector<16xf32>
      %mul3A_487 = arith.mulf %get3A_484, %mul3A_486 : vector<16xf32>
      %add3A_488 = arith.addf %mul3A_480, %mul3A_487 : vector<16xf32>
      %swap3A_489 = arith.index_cast %scan3A_53 : i32 to index
      %swap3A_490 = arith.constant 336 : index
      %swap3A_491 = tpu.vector_load %arg12[%swap3A_489, %swap3A_490] {strides = array<i32>} : memref<32x768xf32, #tpu.memory_space<vmem>>, vector<1x16xf32>,
      %swap3A_492 = vector.shape_cast %swap3A_491 : vector<1x16xf32> to vector<16xf32>
      %swap3A_493 = vector.shape_cast %add3A_488 : vector<16xf32> to vector<1x16xf32>
      tpu.vector_store %arg12[%swap3A_489, %swap3A_490], %swap3A_493 {strides = array<i32>} : memref<32x768xf32, #tpu.memory_space<vmem>>, vector<1x16xf32>,
      %get3A_494 = arith.index_cast %scan3A_53 : i32 to index
      %get3A_495 = arith.constant 352 : index
      %get3A_496 = tpu.vector_load %arg12[%get3A_494, %get3A_495] {strides = array<i32>} : memref<32x768xf32, #tpu.memory_space<vmem>>, vector<1x16xf32>,
      %get3A_497 = vector.shape_cast %get3A_496 : vector<1x16xf32> to vector<16xf32>
      %mul3A_498 = arith.constant 0.899999976 : f32
      %mul3A_499 = vector.broadcast %mul3A_498 : f32 to vector<16xf32>
      %mul3A_500 = arith.mulf %get3A_497, %mul3A_499 : vector<16xf32>
      %get3A_501 = arith.index_cast %scan3A_53 : i32 to index
      %get3A_502 = arith.constant 352 : index
      %get3A_503 = tpu.vector_load %arg13[%get3A_501, %get3A_502] {strides = array<i32>} : memref<32x768xf32, #tpu.memory_space<vmem>>, vector<1x16xf32>,
      %get3A_504 = vector.shape_cast %get3A_503 : vector<1x16xf32> to vector<16xf32>
      %mul3A_505 = arith.constant 1.000000e-01 : f32
      %mul3A_506 = vector.broadcast %mul3A_505 : f32 to vector<16xf32>
      %mul3A_507 = arith.mulf %get3A_504, %mul3A_506 : vector<16xf32>
      %add3A_508 = arith.addf %mul3A_500, %mul3A_507 : vector<16xf32>
      %swap3A_509 = arith.index_cast %scan3A_53 : i32 to index
      %swap3A_510 = arith.constant 352 : index
      %swap3A_511 = tpu.vector_load %arg12[%swap3A_509, %swap3A_510] {strides = array<i32>} : memref<32x768xf32, #tpu.memory_space<vmem>>, vector<1x16xf32>,
      %swap3A_512 = vector.shape_cast %swap3A_511 : vector<1x16xf32> to vector<16xf32>
      %swap3A_513 = vector.shape_cast %add3A_508 : vector<16xf32> to vector<1x16xf32>
      tpu.vector_store %arg12[%swap3A_509, %swap3A_510], %swap3A_513 {strides = array<i32>} : memref<32x768xf32, #tpu.memory_space<vmem>>, vector<1x16xf32>,
      %get3A_514 = arith.index_cast %scan3A_53 : i32 to index
      %get3A_515 = arith.constant 368 : index
      %get3A_516 = tpu.vector_load %arg12[%get3A_514, %get3A_515] {strides = array<i32>} : memref<32x768xf32, #tpu.memory_space<vmem>>, vector<1x16xf32>,
      %get3A_517 = vector.shape_cast %get3A_516 : vector<1x16xf32> to vector<16xf32>
      %mul3A_518 = arith.constant 0.899999976 : f32
      %mul3A_519 = vector.broadcast %mul3A_518 : f32 to vector<16xf32>
      %mul3A_520 = arith.mulf %get3A_517, %mul3A_519 : vector<16xf32>
      %get3A_521 = arith.index_cast %scan3A_53 : i32 to index
      %get3A_522 = arith.constant 368 : index
      %get3A_523 = tpu.vector_load %arg13[%get3A_521, %get3A_522] {strides = array<i32>} : memref<32x768xf32, #tpu.memory_space<vmem>>, vector<1x16xf32>,
      %get3A_524 = vector.shape_cast %get3A_523 : vector<1x16xf32> to vector<16xf32>
      %mul3A_525 = arith.constant 1.000000e-01 : f32
      %mul3A_526 = vector.broadcast %mul3A_525 : f32 to vector<16xf32>
      %mul3A_527 = arith.mulf %get3A_524, %mul3A_526 : vector<16xf32>
      %add3A_528 = arith.addf %mul3A_520, %mul3A_527 : vector<16xf32>
      %swap3A_529 = arith.index_cast %scan3A_53 : i32 to index
      %swap3A_530 = arith.constant 368 : index
      %swap3A_531 = tpu.vector_load %arg12[%swap3A_529, %swap3A_530] {strides = array<i32>} : memref<32x768xf32, #tpu.memory_space<vmem>>, vector<1x16xf32>,
      %swap3A_532 = vector.shape_cast %swap3A_531 : vector<1x16xf32> to vector<16xf32>
      %swap3A_533 = vector.shape_cast %add3A_528 : vector<16xf32> to vector<1x16xf32>
      tpu.vector_store %arg12[%swap3A_529, %swap3A_530], %swap3A_533 {strides = array<i32>} : memref<32x768xf32, #tpu.memory_space<vmem>>, vector<1x16xf32>,
      %get3A_534 = arith.index_cast %scan3A_53 : i32 to index
      %get3A_535 = arith.constant 384 : index
      %get3A_536 = tpu.vector_load %arg12[%get3A_534, %get3A_535] {strides = array<i32>} : memref<32x768xf32, #tpu.memory_space<vmem>>, vector<1x16xf32>,
      %get3A_537 = vector.shape_cast %get3A_536 : vector<1x16xf32> to vector<16xf32>
      %mul3A_538 = arith.constant 0.899999976 : f32
      %mul3A_539 = vector.broadcast %mul3A_538 : f32 to vector<16xf32>
      %mul3A_540 = arith.mulf %get3A_537, %mul3A_539 : vector<16xf32>
      %get3A_541 = arith.index_cast %scan3A_53 : i32 to index
      %get3A_542 = arith.constant 384 : index
      %get3A_543 = tpu.vector_load %arg13[%get3A_541, %get3A_542] {strides = array<i32>} : memref<32x768xf32, #tpu.memory_space<vmem>>, vector<1x16xf32>,
      %get3A_544 = vector.shape_cast %get3A_543 : vector<1x16xf32> to vector<16xf32>
      %mul3A_545 = arith.constant 1.000000e-01 : f32
      %mul3A_546 = vector.broadcast %mul3A_545 : f32 to vector<16xf32>
      %mul3A_547 = arith.mulf %get3A_544, %mul3A_546 : vector<16xf32>
      %add3A_548 = arith.addf %mul3A_540, %mul3A_547 : vector<16xf32>
      %swap3A_549 = arith.index_cast %scan3A_53 : i32 to index
      %swap3A_550 = arith.constant 384 : index
      %swap3A_551 = tpu.vector_load %arg12[%swap3A_549, %swap3A_550] {strides = array<i32>} : memref<32x768xf32, #tpu.memory_space<vmem>>, vector<1x16xf32>,
      %swap3A_552 = vector.shape_cast %swap3A_551 : vector<1x16xf32> to vector<16xf32>
      %swap3A_553 = vector.shape_cast %add3A_548 : vector<16xf32> to vector<1x16xf32>
      tpu.vector_store %arg12[%swap3A_549, %swap3A_550], %swap3A_553 {strides = array<i32>} : memref<32x768xf32, #tpu.memory_space<vmem>>, vector<1x16xf32>,
      %get3A_554 = arith.index_cast %scan3A_53 : i32 to index
      %get3A_555 = arith.constant 400 : index
      %get3A_556 = tpu.vector_load %arg12[%get3A_554, %get3A_555] {strides = array<i32>} : memref<32x768xf32, #tpu.memory_space<vmem>>, vector<1x16xf32>,
      %get3A_557 = vector.shape_cast %get3A_556 : vector<1x16xf32> to vector<16xf32>
      %mul3A_558 = arith.constant 0.899999976 : f32
      %mul3A_559 = vector.broadcast %mul3A_558 : f32 to vector<16xf32>
      %mul3A_560 = arith.mulf %get3A_557, %mul3A_559 : vector<16xf32>
      %get3A_561 = arith.index_cast %scan3A_53 : i32 to index
      %get3A_562 = arith.constant 400 : index
      %get3A_563 = tpu.vector_load %arg13[%get3A_561, %get3A_562] {strides = array<i32>} : memref<32x768xf32, #tpu.memory_space<vmem>>, vector<1x16xf32>,
      %get3A_564 = vector.shape_cast %get3A_563 : vector<1x16xf32> to vector<16xf32>
      %mul3A_565 = arith.constant 1.000000e-01 : f32
      %mul3A_566 = vector.broadcast %mul3A_565 : f32 to vector<16xf32>
      %mul3A_567 = arith.mulf %get3A_564, %mul3A_566 : vector<16xf32>
      %add3A_568 = arith.addf %mul3A_560, %mul3A_567 : vector<16xf32>
      %swap3A_569 = arith.index_cast %scan3A_53 : i32 to index
      %swap3A_570 = arith.constant 400 : index
      %swap3A_571 = tpu.vector_load %arg12[%swap3A_569, %swap3A_570] {strides = array<i32>} : memref<32x768xf32, #tpu.memory_space<vmem>>, vector<1x16xf32>,
      %swap3A_572 = vector.shape_cast %swap3A_571 : vector<1x16xf32> to vector<16xf32>
      %swap3A_573 = vector.shape_cast %add3A_568 : vector<16xf32> to vector<1x16xf32>
      tpu.vector_store %arg12[%swap3A_569, %swap3A_570], %swap3A_573 {strides = array<i32>} : memref<32x768xf32, #tpu.memory_space<vmem>>, vector<1x16xf32>,
      %get3A_574 = arith.index_cast %scan3A_53 : i32 to index
      %get3A_575 = arith.constant 416 : index
      %get3A_576 = tpu.vector_load %arg12[%get3A_574, %get3A_575] {strides = array<i32>} : memref<32x768xf32, #tpu.memory_space<vmem>>, vector<1x16xf32>,
      %get3A_577 = vector.shape_cast %get3A_576 : vector<1x16xf32> to vector<16xf32>
      %mul3A_578 = arith.constant 0.899999976 : f32
      %mul3A_579 = vector.broadcast %mul3A_578 : f32 to vector<16xf32>
      %mul3A_580 = arith.mulf %get3A_577, %mul3A_579 : vector<16xf32>
      %get3A_581 = arith.index_cast %scan3A_53 : i32 to index
      %get3A_582 = arith.constant 416 : index
      %get3A_583 = tpu.vector_load %arg13[%get3A_581, %get3A_582] {strides = array<i32>} : memref<32x768xf32, #tpu.memory_space<vmem>>, vector<1x16xf32>,
      %get3A_584 = vector.shape_cast %get3A_583 : vector<1x16xf32> to vector<16xf32>
      %mul3A_585 = arith.constant 1.000000e-01 : f32
      %mul3A_586 = vector.broadcast %mul3A_585 : f32 to vector<16xf32>
      %mul3A_587 = arith.mulf %get3A_584, %mul3A_586 : vector<16xf32>
      %add3A_588 = arith.addf %mul3A_580, %mul3A_587 : vector<16xf32>
      %swap3A_589 = arith.index_cast %scan3A_53 : i32 to index
      %swap3A_590 = arith.constant 416 : index
      %swap3A_591 = tpu.vector_load %arg12[%swap3A_589, %swap3A_590] {strides = array<i32>} : memref<32x768xf32, #tpu.memory_space<vmem>>, vector<1x16xf32>,
      %swap3A_592 = vector.shape_cast %swap3A_591 : vector<1x16xf32> to vector<16xf32>
      %swap3A_593 = vector.shape_cast %add3A_588 : vector<16xf32> to vector<1x16xf32>
      tpu.vector_store %arg12[%swap3A_589, %swap3A_590], %swap3A_593 {strides = array<i32>} : memref<32x768xf32, #tpu.memory_space<vmem>>, vector<1x16xf32>,
      %get3A_594 = arith.index_cast %scan3A_53 : i32 to index
      %get3A_595 = arith.constant 432 : index
      %get3A_596 = tpu.vector_load %arg12[%get3A_594, %get3A_595] {strides = array<i32>} : memref<32x768xf32, #tpu.memory_space<vmem>>, vector<1x16xf32>,
      %get3A_597 = vector.shape_cast %get3A_596 : vector<1x16xf32> to vector<16xf32>
      %mul3A_598 = arith.constant 0.899999976 : f32
      %mul3A_599 = vector.broadcast %mul3A_598 : f32 to vector<16xf32>
      %mul3A_600 = arith.mulf %get3A_597, %mul3A_599 : vector<16xf32>
      %get3A_601 = arith.index_cast %scan3A_53 : i32 to index
      %get3A_602 = arith.constant 432 : index
      %get3A_603 = tpu.vector_load %arg13[%get3A_601, %get3A_602] {strides = array<i32>} : memref<32x768xf32, #tpu.memory_space<vmem>>, vector<1x16xf32>,
      %get3A_604 = vector.shape_cast %get3A_603 : vector<1x16xf32> to vector<16xf32>
      %mul3A_605 = arith.constant 1.000000e-01 : f32
      %mul3A_606 = vector.broadcast %mul3A_605 : f32 to vector<16xf32>
      %mul3A_607 = arith.mulf %get3A_604, %mul3A_606 : vector<16xf32>
      %add3A_608 = arith.addf %mul3A_600, %mul3A_607 : vector<16xf32>
      %swap3A_609 = arith.index_cast %scan3A_53 : i32 to index
      %swap3A_610 = arith.constant 432 : index
      %swap3A_611 = tpu.vector_load %arg12[%swap3A_609, %swap3A_610] {strides = array<i32>} : memref<32x768xf32, #tpu.memory_space<vmem>>, vector<1x16xf32>,
      %swap3A_612 = vector.shape_cast %swap3A_611 : vector<1x16xf32> to vector<16xf32>
      %swap3A_613 = vector.shape_cast %add3A_608 : vector<16xf32> to vector<1x16xf32>
      tpu.vector_store %arg12[%swap3A_609, %swap3A_610], %swap3A_613 {strides = array<i32>} : memref<32x768xf32, #tpu.memory_space<vmem>>, vector<1x16xf32>,
      %get3A_614 = arith.index_cast %scan3A_53 : i32 to index
      %get3A_615 = arith.constant 448 : index
      %get3A_616 = tpu.vector_load %arg12[%get3A_614, %get3A_615] {strides = array<i32>} : memref<32x768xf32, #tpu.memory_space<vmem>>, vector<1x16xf32>,
      %get3A_617 = vector.shape_cast %get3A_616 : vector<1x16xf32> to vector<16xf32>
      %mul3A_618 = arith.constant 0.899999976 : f32
      %mul3A_619 = vector.broadcast %mul3A_618 : f32 to vector<16xf32>
      %mul3A_620 = arith.mulf %get3A_617, %mul3A_619 : vector<16xf32>
      %get3A_621 = arith.index_cast %scan3A_53 : i32 to index
      %get3A_622 = arith.constant 448 : index
      %get3A_623 = tpu.vector_load %arg13[%get3A_621, %get3A_622] {strides = array<i32>} : memref<32x768xf32, #tpu.memory_space<vmem>>, vector<1x16xf32>,
      %get3A_624 = vector.shape_cast %get3A_623 : vector<1x16xf32> to vector<16xf32>
      %mul3A_625 = arith.constant 1.000000e-01 : f32
      %mul3A_626 = vector.broadcast %mul3A_625 : f32 to vector<16xf32>
      %mul3A_627 = arith.mulf %get3A_624, %mul3A_626 : vector<16xf32>
      %add3A_628 = arith.addf %mul3A_620, %mul3A_627 : vector<16xf32>
      %swap3A_629 = arith.index_cast %scan3A_53 : i32 to index
      %swap3A_630 = arith.constant 448 : index
      %swap3A_631 = tpu.vector_load %arg12[%swap3A_629, %swap3A_630] {strides = array<i32>} : memref<32x768xf32, #tpu.memory_space<vmem>>, vector<1x16xf32>,
      %swap3A_632 = vector.shape_cast %swap3A_631 : vector<1x16xf32> to vector<16xf32>
      %swap3A_633 = vector.shape_cast %add3A_628 : vector<16xf32> to vector<1x16xf32>
      tpu.vector_store %arg12[%swap3A_629, %swap3A_630], %swap3A_633 {strides = array<i32>} : memref<32x768xf32, #tpu.memory_space<vmem>>, vector<1x16xf32>,
      %get3A_634 = arith.index_cast %scan3A_53 : i32 to index
      %get3A_635 = arith.constant 464 : index
      %get3A_636 = tpu.vector_load %arg12[%get3A_634, %get3A_635] {strides = array<i32>} : memref<32x768xf32, #tpu.memory_space<vmem>>, vector<1x16xf32>,
      %get3A_637 = vector.shape_cast %get3A_636 : vector<1x16xf32> to vector<16xf32>
      %mul3A_638 = arith.constant 0.899999976 : f32
      %mul3A_639 = vector.broadcast %mul3A_638 : f32 to vector<16xf32>
      %mul3A_640 = arith.mulf %get3A_637, %mul3A_639 : vector<16xf32>
      %get3A_641 = arith.index_cast %scan3A_53 : i32 to index
      %get3A_642 = arith.constant 464 : index
      %get3A_643 = tpu.vector_load %arg13[%get3A_641, %get3A_642] {strides = array<i32>} : memref<32x768xf32, #tpu.memory_space<vmem>>, vector<1x16xf32>,
      %get3A_644 = vector.shape_cast %get3A_643 : vector<1x16xf32> to vector<16xf32>
      %mul3A_645 = arith.constant 1.000000e-01 : f32
      %mul3A_646 = vector.broadcast %mul3A_645 : f32 to vector<16xf32>
      %mul3A_647 = arith.mulf %get3A_644, %mul3A_646 : vector<16xf32>
      %add3A_648 = arith.addf %mul3A_640, %mul3A_647 : vector<16xf32>
      %swap3A_649 = arith.index_cast %scan3A_53 : i32 to index
      %swap3A_650 = arith.constant 464 : index
      %swap3A_651 = tpu.vector_load %arg12[%swap3A_649, %swap3A_650] {strides = array<i32>} : memref<32x768xf32, #tpu.memory_space<vmem>>, vector<1x16xf32>,
      %swap3A_652 = vector.shape_cast %swap3A_651 : vector<1x16xf32> to vector<16xf32>
      %swap3A_653 = vector.shape_cast %add3A_648 : vector<16xf32> to vector<1x16xf32>
      tpu.vector_store %arg12[%swap3A_649, %swap3A_650], %swap3A_653 {strides = array<i32>} : memref<32x768xf32, #tpu.memory_space<vmem>>, vector<1x16xf32>,
      %get3A_654 = arith.index_cast %scan3A_53 : i32 to index
      %get3A_655 = arith.constant 480 : index
      %get3A_656 = tpu.vector_load %arg12[%get3A_654, %get3A_655] {strides = array<i32>} : memref<32x768xf32, #tpu.memory_space<vmem>>, vector<1x16xf32>,
      %get3A_657 = vector.shape_cast %get3A_656 : vector<1x16xf32> to vector<16xf32>
      %mul3A_658 = arith.constant 0.899999976 : f32
      %mul3A_659 = vector.broadcast %mul3A_658 : f32 to vector<16xf32>
      %mul3A_660 = arith.mulf %get3A_657, %mul3A_659 : vector<16xf32>
      %get3A_661 = arith.index_cast %scan3A_53 : i32 to index
      %get3A_662 = arith.constant 480 : index
      %get3A_663 = tpu.vector_load %arg13[%get3A_661, %get3A_662] {strides = array<i32>} : memref<32x768xf32, #tpu.memory_space<vmem>>, vector<1x16xf32>,
      %get3A_664 = vector.shape_cast %get3A_663 : vector<1x16xf32> to vector<16xf32>
      %mul3A_665 = arith.constant 1.000000e-01 : f32
      %mul3A_666 = vector.broadcast %mul3A_665 : f32 to vector<16xf32>
      %mul3A_667 = arith.mulf %get3A_664, %mul3A_666 : vector<16xf32>
      %add3A_668 = arith.addf %mul3A_660, %mul3A_667 : vector<16xf32>
      %swap3A_669 = arith.index_cast %scan3A_53 : i32 to index
      %swap3A_670 = arith.constant 480 : index
      %swap3A_671 = tpu.vector_load %arg12[%swap3A_669, %swap3A_670] {strides = array<i32>} : memref<32x768xf32, #tpu.memory_space<vmem>>, vector<1x16xf32>,
      %swap3A_672 = vector.shape_cast %swap3A_671 : vector<1x16xf32> to vector<16xf32>
      %swap3A_673 = vector.shape_cast %add3A_668 : vector<16xf32> to vector<1x16xf32>
      tpu.vector_store %arg12[%swap3A_669, %swap3A_670], %swap3A_673 {strides = array<i32>} : memref<32x768xf32, #tpu.memory_space<vmem>>, vector<1x16xf32>,
      %get3A_674 = arith.index_cast %scan3A_53 : i32 to index
      %get3A_675 = arith.constant 496 : index
      %get3A_676 = tpu.vector_load %arg12[%get3A_674, %get3A_675] {strides = array<i32>} : memref<32x768xf32, #tpu.memory_space<vmem>>, vector<1x16xf32>,
      %get3A_677 = vector.shape_cast %get3A_676 : vector<1x16xf32> to vector<16xf32>
      %mul3A_678 = arith.constant 0.899999976 : f32
      %mul3A_679 = vector.broadcast %mul3A_678 : f32 to vector<16xf32>
      %mul3A_680 = arith.mulf %get3A_677, %mul3A_679 : vector<16xf32>
      %get3A_681 = arith.index_cast %scan3A_53 : i32 to index
      %get3A_682 = arith.constant 496 : index
      %get3A_683 = tpu.vector_load %arg13[%get3A_681, %get3A_682] {strides = array<i32>} : memref<32x768xf32, #tpu.memory_space<vmem>>, vector<1x16xf32>,
      %get3A_684 = vector.shape_cast %get3A_683 : vector<1x16xf32> to vector<16xf32>
      %mul3A_685 = arith.constant 1.000000e-01 : f32
      %mul3A_686 = vector.broadcast %mul3A_685 : f32 to vector<16xf32>
      %mul3A_687 = arith.mulf %get3A_684, %mul3A_686 : vector<16xf32>
      %add3A_688 = arith.addf %mul3A_680, %mul3A_687 : vector<16xf32>
      %swap3A_689 = arith.index_cast %scan3A_53 : i32 to index
      %swap3A_690 = arith.constant 496 : index
      %swap3A_691 = tpu.vector_load %arg12[%swap3A_689, %swap3A_690] {strides = array<i32>} : memref<32x768xf32, #tpu.memory_space<vmem>>, vector<1x16xf32>,
      %swap3A_692 = vector.shape_cast %swap3A_691 : vector<1x16xf32> to vector<16xf32>
      %swap3A_693 = vector.shape_cast %add3A_688 : vector<16xf32> to vector<1x16xf32>
      tpu.vector_store %arg12[%swap3A_689, %swap3A_690], %swap3A_693 {strides = array<i32>} : memref<32x768xf32, #tpu.memory_space<vmem>>, vector<1x16xf32>,
      %get3A_694 = arith.index_cast %scan3A_53 : i32 to index
      %get3A_695 = arith.constant 512 : index
      %get3A_696 = tpu.vector_load %arg12[%get3A_694, %get3A_695] {strides = array<i32>} : memref<32x768xf32, #tpu.memory_space<vmem>>, vector<1x16xf32>,
      %get3A_697 = vector.shape_cast %get3A_696 : vector<1x16xf32> to vector<16xf32>
      %mul3A_698 = arith.constant 0.899999976 : f32
      %mul3A_699 = vector.broadcast %mul3A_698 : f32 to vector<16xf32>
      %mul3A_700 = arith.mulf %get3A_697, %mul3A_699 : vector<16xf32>
      %get3A_701 = arith.index_cast %scan3A_53 : i32 to index
      %get3A_702 = arith.constant 512 : index
      %get3A_703 = tpu.vector_load %arg13[%get3A_701, %get3A_702] {strides = array<i32>} : memref<32x768xf32, #tpu.memory_space<vmem>>, vector<1x16xf32>,
      %get3A_704 = vector.shape_cast %get3A_703 : vector<1x16xf32> to vector<16xf32>
      %mul3A_705 = arith.constant 1.000000e-01 : f32
      %mul3A_706 = vector.broadcast %mul3A_705 : f32 to vector<16xf32>
      %mul3A_707 = arith.mulf %get3A_704, %mul3A_706 : vector<16xf32>
      %add3A_708 = arith.addf %mul3A_700, %mul3A_707 : vector<16xf32>
      %swap3A_709 = arith.index_cast %scan3A_53 : i32 to index
      %swap3A_710 = arith.constant 512 : index
      %swap3A_711 = tpu.vector_load %arg12[%swap3A_709, %swap3A_710] {strides = array<i32>} : memref<32x768xf32, #tpu.memory_space<vmem>>, vector<1x16xf32>,
      %swap3A_712 = vector.shape_cast %swap3A_711 : vector<1x16xf32> to vector<16xf32>
      %swap3A_713 = vector.shape_cast %add3A_708 : vector<16xf32> to vector<1x16xf32>
      tpu.vector_store %arg12[%swap3A_709, %swap3A_710], %swap3A_713 {strides = array<i32>} : memref<32x768xf32, #tpu.memory_space<vmem>>, vector<1x16xf32>,
      %get3A_714 = arith.index_cast %scan3A_53 : i32 to index
      %get3A_715 = arith.constant 528 : index
      %get3A_716 = tpu.vector_load %arg12[%get3A_714, %get3A_715] {strides = array<i32>} : memref<32x768xf32, #tpu.memory_space<vmem>>, vector<1x16xf32>,
      %get3A_717 = vector.shape_cast %get3A_716 : vector<1x16xf32> to vector<16xf32>
      %mul3A_718 = arith.constant 0.899999976 : f32
      %mul3A_719 = vector.broadcast %mul3A_718 : f32 to vector<16xf32>
      %mul3A_720 = arith.mulf %get3A_717, %mul3A_719 : vector<16xf32>
      %get3A_721 = arith.index_cast %scan3A_53 : i32 to index
      %get3A_722 = arith.constant 528 : index
      %get3A_723 = tpu.vector_load %arg13[%get3A_721, %get3A_722] {strides = array<i32>} : memref<32x768xf32, #tpu.memory_space<vmem>>, vector<1x16xf32>,
      %get3A_724 = vector.shape_cast %get3A_723 : vector<1x16xf32> to vector<16xf32>
      %mul3A_725 = arith.constant 1.000000e-01 : f32
      %mul3A_726 = vector.broadcast %mul3A_725 : f32 to vector<16xf32>
      %mul3A_727 = arith.mulf %get3A_724, %mul3A_726 : vector<16xf32>
      %add3A_728 = arith.addf %mul3A_720, %mul3A_727 : vector<16xf32>
      %swap3A_729 = arith.index_cast %scan3A_53 : i32 to index
      %swap3A_730 = arith.constant 528 : index
      %swap3A_731 = tpu.vector_load %arg12[%swap3A_729, %swap3A_730] {strides = array<i32>} : memref<32x768xf32, #tpu.memory_space<vmem>>, vector<1x16xf32>,
      %swap3A_732 = vector.shape_cast %swap3A_731 : vector<1x16xf32> to vector<16xf32>
      %swap3A_733 = vector.shape_cast %add3A_728 : vector<16xf32> to vector<1x16xf32>
      tpu.vector_store %arg12[%swap3A_729, %swap3A_730], %swap3A_733 {strides = array<i32>} : memref<32x768xf32, #tpu.memory_space<vmem>>, vector<1x16xf32>,
      %get3A_734 = arith.index_cast %scan3A_53 : i32 to index
      %get3A_735 = arith.constant 544 : index
      %get3A_736 = tpu.vector_load %arg12[%get3A_734, %get3A_735] {strides = array<i32>} : memref<32x768xf32, #tpu.memory_space<vmem>>, vector<1x16xf32>,
      %get3A_737 = vector.shape_cast %get3A_736 : vector<1x16xf32> to vector<16xf32>
      %mul3A_738 = arith.constant 0.899999976 : f32
      %mul3A_739 = vector.broadcast %mul3A_738 : f32 to vector<16xf32>
      %mul3A_740 = arith.mulf %get3A_737, %mul3A_739 : vector<16xf32>
      %get3A_741 = arith.index_cast %scan3A_53 : i32 to index
      %get3A_742 = arith.constant 544 : index
      %get3A_743 = tpu.vector_load %arg13[%get3A_741, %get3A_742] {strides = array<i32>} : memref<32x768xf32, #tpu.memory_space<vmem>>, vector<1x16xf32>,
      %get3A_744 = vector.shape_cast %get3A_743 : vector<1x16xf32> to vector<16xf32>
      %mul3A_745 = arith.constant 1.000000e-01 : f32
      %mul3A_746 = vector.broadcast %mul3A_745 : f32 to vector<16xf32>
      %mul3A_747 = arith.mulf %get3A_744, %mul3A_746 : vector<16xf32>
      %add3A_748 = arith.addf %mul3A_740, %mul3A_747 : vector<16xf32>
      %swap3A_749 = arith.index_cast %scan3A_53 : i32 to index
      %swap3A_750 = arith.constant 544 : index
      %swap3A_751 = tpu.vector_load %arg12[%swap3A_749, %swap3A_750] {strides = array<i32>} : memref<32x768xf32, #tpu.memory_space<vmem>>, vector<1x16xf32>,
      %swap3A_752 = vector.shape_cast %swap3A_751 : vector<1x16xf32> to vector<16xf32>
      %swap3A_753 = vector.shape_cast %add3A_748 : vector<16xf32> to vector<1x16xf32>
      tpu.vector_store %arg12[%swap3A_749, %swap3A_750], %swap3A_753 {strides = array<i32>} : memref<32x768xf32, #tpu.memory_space<vmem>>, vector<1x16xf32>,
      %get3A_754 = arith.index_cast %scan3A_53 : i32 to index
      %get3A_755 = arith.constant 560 : index
      %get3A_756 = tpu.vector_load %arg12[%get3A_754, %get3A_755] {strides = array<i32>} : memref<32x768xf32, #tpu.memory_space<vmem>>, vector<1x16xf32>,
      %get3A_757 = vector.shape_cast %get3A_756 : vector<1x16xf32> to vector<16xf32>
      %mul3A_758 = arith.constant 0.899999976 : f32
      %mul3A_759 = vector.broadcast %mul3A_758 : f32 to vector<16xf32>
      %mul3A_760 = arith.mulf %get3A_757, %mul3A_759 : vector<16xf32>
      %get3A_761 = arith.index_cast %scan3A_53 : i32 to index
      %get3A_762 = arith.constant 560 : index
      %get3A_763 = tpu.vector_load %arg13[%get3A_761, %get3A_762] {strides = array<i32>} : memref<32x768xf32, #tpu.memory_space<vmem>>, vector<1x16xf32>,
      %get3A_764 = vector.shape_cast %get3A_763 : vector<1x16xf32> to vector<16xf32>
      %mul3A_765 = arith.constant 1.000000e-01 : f32
      %mul3A_766 = vector.broadcast %mul3A_765 : f32 to vector<16xf32>
      %mul3A_767 = arith.mulf %get3A_764, %mul3A_766 : vector<16xf32>
      %add3A_768 = arith.addf %mul3A_760, %mul3A_767 : vector<16xf32>
      %swap3A_769 = arith.index_cast %scan3A_53 : i32 to index
      %swap3A_770 = arith.constant 560 : index
      %swap3A_771 = tpu.vector_load %arg12[%swap3A_769, %swap3A_770] {strides = array<i32>} : memref<32x768xf32, #tpu.memory_space<vmem>>, vector<1x16xf32>,
      %swap3A_772 = vector.shape_cast %swap3A_771 : vector<1x16xf32> to vector<16xf32>
      %swap3A_773 = vector.shape_cast %add3A_768 : vector<16xf32> to vector<1x16xf32>
      tpu.vector_store %arg12[%swap3A_769, %swap3A_770], %swap3A_773 {strides = array<i32>} : memref<32x768xf32, #tpu.memory_space<vmem>>, vector<1x16xf32>,
      %get3A_774 = arith.index_cast %scan3A_53 : i32 to index
      %get3A_775 = arith.constant 576 : index
      %get3A_776 = tpu.vector_load %arg12[%get3A_774, %get3A_775] {strides = array<i32>} : memref<32x768xf32, #tpu.memory_space<vmem>>, vector<1x16xf32>,
      %get3A_777 = vector.shape_cast %get3A_776 : vector<1x16xf32> to vector<16xf32>
      %mul3A_778 = arith.constant 0.899999976 : f32
      %mul3A_779 = vector.broadcast %mul3A_778 : f32 to vector<16xf32>
      %mul3A_780 = arith.mulf %get3A_777, %mul3A_779 : vector<16xf32>
      %get3A_781 = arith.index_cast %scan3A_53 : i32 to index
      %get3A_782 = arith.constant 576 : index
      %get3A_783 = tpu.vector_load %arg13[%get3A_781, %get3A_782] {strides = array<i32>} : memref<32x768xf32, #tpu.memory_space<vmem>>, vector<1x16xf32>,
      %get3A_784 = vector.shape_cast %get3A_783 : vector<1x16xf32> to vector<16xf32>
      %mul3A_785 = arith.constant 1.000000e-01 : f32
      %mul3A_786 = vector.broadcast %mul3A_785 : f32 to vector<16xf32>
      %mul3A_787 = arith.mulf %get3A_784, %mul3A_786 : vector<16xf32>
      %add3A_788 = arith.addf %mul3A_780, %mul3A_787 : vector<16xf32>
      %swap3A_789 = arith.index_cast %scan3A_53 : i32 to index
      %swap3A_790 = arith.constant 576 : index
      %swap3A_791 = tpu.vector_load %arg12[%swap3A_789, %swap3A_790] {strides = array<i32>} : memref<32x768xf32, #tpu.memory_space<vmem>>, vector<1x16xf32>,
      %swap3A_792 = vector.shape_cast %swap3A_791 : vector<1x16xf32> to vector<16xf32>
      %swap3A_793 = vector.shape_cast %add3A_788 : vector<16xf32> to vector<1x16xf32>
      tpu.vector_store %arg12[%swap3A_789, %swap3A_790], %swap3A_793 {strides = array<i32>} : memref<32x768xf32, #tpu.memory_space<vmem>>, vector<1x16xf32>,
      %get3A_794 = arith.index_cast %scan3A_53 : i32 to index
      %get3A_795 = arith.constant 592 : index
      %get3A_796 = tpu.vector_load %arg12[%get3A_794, %get3A_795] {strides = array<i32>} : memref<32x768xf32, #tpu.memory_space<vmem>>, vector<1x16xf32>,
      %get3A_797 = vector.shape_cast %get3A_796 : vector<1x16xf32> to vector<16xf32>
      %mul3A_798 = arith.constant 0.899999976 : f32
      %mul3A_799 = vector.broadcast %mul3A_798 : f32 to vector<16xf32>
      %mul3A_800 = arith.mulf %get3A_797, %mul3A_799 : vector<16xf32>
      %get3A_801 = arith.index_cast %scan3A_53 : i32 to index
      %get3A_802 = arith.constant 592 : index
      %get3A_803 = tpu.vector_load %arg13[%get3A_801, %get3A_802] {strides = array<i32>} : memref<32x768xf32, #tpu.memory_space<vmem>>, vector<1x16xf32>,
      %get3A_804 = vector.shape_cast %get3A_803 : vector<1x16xf32> to vector<16xf32>
      %mul3A_805 = arith.constant 1.000000e-01 : f32
      %mul3A_806 = vector.broadcast %mul3A_805 : f32 to vector<16xf32>
      %mul3A_807 = arith.mulf %get3A_804, %mul3A_806 : vector<16xf32>
      %add3A_808 = arith.addf %mul3A_800, %mul3A_807 : vector<16xf32>
      %swap3A_809 = arith.index_cast %scan3A_53 : i32 to index
      %swap3A_810 = arith.constant 592 : index
      %swap3A_811 = tpu.vector_load %arg12[%swap3A_809, %swap3A_810] {strides = array<i32>} : memref<32x768xf32, #tpu.memory_space<vmem>>, vector<1x16xf32>,
      %swap3A_812 = vector.shape_cast %swap3A_811 : vector<1x16xf32> to vector<16xf32>
      %swap3A_813 = vector.shape_cast %add3A_808 : vector<16xf32> to vector<1x16xf32>
      tpu.vector_store %arg12[%swap3A_809, %swap3A_810], %swap3A_813 {strides = array<i32>} : memref<32x768xf32, #tpu.memory_space<vmem>>, vector<1x16xf32>,
      %get3A_814 = arith.index_cast %scan3A_53 : i32 to index
      %get3A_815 = arith.constant 608 : index
      %get3A_816 = tpu.vector_load %arg12[%get3A_814, %get3A_815] {strides = array<i32>} : memref<32x768xf32, #tpu.memory_space<vmem>>, vector<1x16xf32>,
      %get3A_817 = vector.shape_cast %get3A_816 : vector<1x16xf32> to vector<16xf32>
      %mul3A_818 = arith.constant 0.899999976 : f32
      %mul3A_819 = vector.broadcast %mul3A_818 : f32 to vector<16xf32>
      %mul3A_820 = arith.mulf %get3A_817, %mul3A_819 : vector<16xf32>
      %get3A_821 = arith.index_cast %scan3A_53 : i32 to index
      %get3A_822 = arith.constant 608 : index
      %get3A_823 = tpu.vector_load %arg13[%get3A_821, %get3A_822] {strides = array<i32>} : memref<32x768xf32, #tpu.memory_space<vmem>>, vector<1x16xf32>,
      %get3A_824 = vector.shape_cast %get3A_823 : vector<1x16xf32> to vector<16xf32>
      %mul3A_825 = arith.constant 1.000000e-01 : f32
      %mul3A_826 = vector.broadcast %mul3A_825 : f32 to vector<16xf32>
      %mul3A_827 = arith.mulf %get3A_824, %mul3A_826 : vector<16xf32>
      %add3A_828 = arith.addf %mul3A_820, %mul3A_827 : vector<16xf32>
      %swap3A_829 = arith.index_cast %scan3A_53 : i32 to index
      %swap3A_830 = arith.constant 608 : index
      %swap3A_831 = tpu.vector_load %arg12[%swap3A_829, %swap3A_830] {strides = array<i32>} : memref<32x768xf32, #tpu.memory_space<vmem>>, vector<1x16xf32>,
      %swap3A_832 = vector.shape_cast %swap3A_831 : vector<1x16xf32> to vector<16xf32>
      %swap3A_833 = vector.shape_cast %add3A_828 : vector<16xf32> to vector<1x16xf32>
      tpu.vector_store %arg12[%swap3A_829, %swap3A_830], %swap3A_833 {strides = array<i32>} : memref<32x768xf32, #tpu.memory_space<vmem>>, vector<1x16xf32>,
      %get3A_834 = arith.index_cast %scan3A_53 : i32 to index
      %get3A_835 = arith.constant 624 : index
      %get3A_836 = tpu.vector_load %arg12[%get3A_834, %get3A_835] {strides = array<i32>} : memref<32x768xf32, #tpu.memory_space<vmem>>, vector<1x16xf32>,
      %get3A_837 = vector.shape_cast %get3A_836 : vector<1x16xf32> to vector<16xf32>
      %mul3A_838 = arith.constant 0.899999976 : f32
      %mul3A_839 = vector.broadcast %mul3A_838 : f32 to vector<16xf32>
      %mul3A_840 = arith.mulf %get3A_837, %mul3A_839 : vector<16xf32>
      %get3A_841 = arith.index_cast %scan3A_53 : i32 to index
      %get3A_842 = arith.constant 624 : index
      %get3A_843 = tpu.vector_load %arg13[%get3A_841, %get3A_842] {strides = array<i32>} : memref<32x768xf32, #tpu.memory_space<vmem>>, vector<1x16xf32>,
      %get3A_844 = vector.shape_cast %get3A_843 : vector<1x16xf32> to vector<16xf32>
      %mul3A_845 = arith.constant 1.000000e-01 : f32
      %mul3A_846 = vector.broadcast %mul3A_845 : f32 to vector<16xf32>
      %mul3A_847 = arith.mulf %get3A_844, %mul3A_846 : vector<16xf32>
      %add3A_848 = arith.addf %mul3A_840, %mul3A_847 : vector<16xf32>
      %swap3A_849 = arith.index_cast %scan3A_53 : i32 to index
      %swap3A_850 = arith.constant 624 : index
      %swap3A_851 = tpu.vector_load %arg12[%swap3A_849, %swap3A_850] {strides = array<i32>} : memref<32x768xf32, #tpu.memory_space<vmem>>, vector<1x16xf32>,
      %swap3A_852 = vector.shape_cast %swap3A_851 : vector<1x16xf32> to vector<16xf32>
      %swap3A_853 = vector.shape_cast %add3A_848 : vector<16xf32> to vector<1x16xf32>
      tpu.vector_store %arg12[%swap3A_849, %swap3A_850], %swap3A_853 {strides = array<i32>} : memref<32x768xf32, #tpu.memory_space<vmem>>, vector<1x16xf32>,
      %get3A_854 = arith.index_cast %scan3A_53 : i32 to index
      %get3A_855 = arith.constant 640 : index
      %get3A_856 = tpu.vector_load %arg12[%get3A_854, %get3A_855] {strides = array<i32>} : memref<32x768xf32, #tpu.memory_space<vmem>>, vector<1x16xf32>,
      %get3A_857 = vector.shape_cast %get3A_856 : vector<1x16xf32> to vector<16xf32>
      %mul3A_858 = arith.constant 0.899999976 : f32
      %mul3A_859 = vector.broadcast %mul3A_858 : f32 to vector<16xf32>
      %mul3A_860 = arith.mulf %get3A_857, %mul3A_859 : vector<16xf32>
      %get3A_861 = arith.index_cast %scan3A_53 : i32 to index
      %get3A_862 = arith.constant 640 : index
      %get3A_863 = tpu.vector_load %arg13[%get3A_861, %get3A_862] {strides = array<i32>} : memref<32x768xf32, #tpu.memory_space<vmem>>, vector<1x16xf32>,
      %get3A_864 = vector.shape_cast %get3A_863 : vector<1x16xf32> to vector<16xf32>
      %mul3A_865 = arith.constant 1.000000e-01 : f32
      %mul3A_866 = vector.broadcast %mul3A_865 : f32 to vector<16xf32>
      %mul3A_867 = arith.mulf %get3A_864, %mul3A_866 : vector<16xf32>
      %add3A_868 = arith.addf %mul3A_860, %mul3A_867 : vector<16xf32>
      %swap3A_869 = arith.index_cast %scan3A_53 : i32 to index
      %swap3A_870 = arith.constant 640 : index
      %swap3A_871 = tpu.vector_load %arg12[%swap3A_869, %swap3A_870] {strides = array<i32>} : memref<32x768xf32, #tpu.memory_space<vmem>>, vector<1x16xf32>,
      %swap3A_872 = vector.shape_cast %swap3A_871 : vector<1x16xf32> to vector<16xf32>
      %swap3A_873 = vector.shape_cast %add3A_868 : vector<16xf32> to vector<1x16xf32>
      tpu.vector_store %arg12[%swap3A_869, %swap3A_870], %swap3A_873 {strides = array<i32>} : memref<32x768xf32, #tpu.memory_space<vmem>>, vector<1x16xf32>,
      %get3A_874 = arith.index_cast %scan3A_53 : i32 to index
      %get3A_875 = arith.constant 656 : index
      %get3A_876 = tpu.vector_load %arg12[%get3A_874, %get3A_875] {strides = array<i32>} : memref<32x768xf32, #tpu.memory_space<vmem>>, vector<1x16xf32>,
      %get3A_877 = vector.shape_cast %get3A_876 : vector<1x16xf32> to vector<16xf32>
      %mul3A_878 = arith.constant 0.899999976 : f32
      %mul3A_879 = vector.broadcast %mul3A_878 : f32 to vector<16xf32>
      %mul3A_880 = arith.mulf %get3A_877, %mul3A_879 : vector<16xf32>
      %get3A_881 = arith.index_cast %scan3A_53 : i32 to index
      %get3A_882 = arith.constant 656 : index
      %get3A_883 = tpu.vector_load %arg13[%get3A_881, %get3A_882] {strides = array<i32>} : memref<32x768xf32, #tpu.memory_space<vmem>>, vector<1x16xf32>,
      %get3A_884 = vector.shape_cast %get3A_883 : vector<1x16xf32> to vector<16xf32>
      %mul3A_885 = arith.constant 1.000000e-01 : f32
      %mul3A_886 = vector.broadcast %mul3A_885 : f32 to vector<16xf32>
      %mul3A_887 = arith.mulf %get3A_884, %mul3A_886 : vector<16xf32>
      %add3A_888 = arith.addf %mul3A_880, %mul3A_887 : vector<16xf32>
      %swap3A_889 = arith.index_cast %scan3A_53 : i32 to index
      %swap3A_890 = arith.constant 656 : index
      %swap3A_891 = tpu.vector_load %arg12[%swap3A_889, %swap3A_890] {strides = array<i32>} : memref<32x768xf32, #tpu.memory_space<vmem>>, vector<1x16xf32>,
      %swap3A_892 = vector.shape_cast %swap3A_891 : vector<1x16xf32> to vector<16xf32>
      %swap3A_893 = vector.shape_cast %add3A_888 : vector<16xf32> to vector<1x16xf32>
      tpu.vector_store %arg12[%swap3A_889, %swap3A_890], %swap3A_893 {strides = array<i32>} : memref<32x768xf32, #tpu.memory_space<vmem>>, vector<1x16xf32>,
      %get3A_894 = arith.index_cast %scan3A_53 : i32 to index
      %get3A_895 = arith.constant 672 : index
      %get3A_896 = tpu.vector_load %arg12[%get3A_894, %get3A_895] {strides = array<i32>} : memref<32x768xf32, #tpu.memory_space<vmem>>, vector<1x16xf32>,
      %get3A_897 = vector.shape_cast %get3A_896 : vector<1x16xf32> to vector<16xf32>
      %mul3A_898 = arith.constant 0.899999976 : f32
      %mul3A_899 = vector.broadcast %mul3A_898 : f32 to vector<16xf32>
      %mul3A_900 = arith.mulf %get3A_897, %mul3A_899 : vector<16xf32>
      %get3A_901 = arith.index_cast %scan3A_53 : i32 to index
      %get3A_902 = arith.constant 672 : index
      %get3A_903 = tpu.vector_load %arg13[%get3A_901, %get3A_902] {strides = array<i32>} : memref<32x768xf32, #tpu.memory_space<vmem>>, vector<1x16xf32>,
      %get3A_904 = vector.shape_cast %get3A_903 : vector<1x16xf32> to vector<16xf32>
      %mul3A_905 = arith.constant 1.000000e-01 : f32
      %mul3A_906 = vector.broadcast %mul3A_905 : f32 to vector<16xf32>
      %mul3A_907 = arith.mulf %get3A_904, %mul3A_906 : vector<16xf32>
      %add3A_908 = arith.addf %mul3A_900, %mul3A_907 : vector<16xf32>
      %swap3A_909 = arith.index_cast %scan3A_53 : i32 to index
      %swap3A_910 = arith.constant 672 : index
      %swap3A_911 = tpu.vector_load %arg12[%swap3A_909, %swap3A_910] {strides = array<i32>} : memref<32x768xf32, #tpu.memory_space<vmem>>, vector<1x16xf32>,
      %swap3A_912 = vector.shape_cast %swap3A_911 : vector<1x16xf32> to vector<16xf32>
      %swap3A_913 = vector.shape_cast %add3A_908 : vector<16xf32> to vector<1x16xf32>
      tpu.vector_store %arg12[%swap3A_909, %swap3A_910], %swap3A_913 {strides = array<i32>} : memref<32x768xf32, #tpu.memory_space<vmem>>, vector<1x16xf32>,
      %get3A_914 = arith.index_cast %scan3A_53 : i32 to index
      %get3A_915 = arith.constant 688 : index
      %get3A_916 = tpu.vector_load %arg12[%get3A_914, %get3A_915] {strides = array<i32>} : memref<32x768xf32, #tpu.memory_space<vmem>>, vector<1x16xf32>,
      %get3A_917 = vector.shape_cast %get3A_916 : vector<1x16xf32> to vector<16xf32>
      %mul3A_918 = arith.constant 0.899999976 : f32
      %mul3A_919 = vector.broadcast %mul3A_918 : f32 to vector<16xf32>
      %mul3A_920 = arith.mulf %get3A_917, %mul3A_919 : vector<16xf32>
      %get3A_921 = arith.index_cast %scan3A_53 : i32 to index
      %get3A_922 = arith.constant 688 : index
      %get3A_923 = tpu.vector_load %arg13[%get3A_921, %get3A_922] {strides = array<i32>} : memref<32x768xf32, #tpu.memory_space<vmem>>, vector<1x16xf32>,
      %get3A_924 = vector.shape_cast %get3A_923 : vector<1x16xf32> to vector<16xf32>
      %mul3A_925 = arith.constant 1.000000e-01 : f32
      %mul3A_926 = vector.broadcast %mul3A_925 : f32 to vector<16xf32>
      %mul3A_927 = arith.mulf %get3A_924, %mul3A_926 : vector<16xf32>
      %add3A_928 = arith.addf %mul3A_920, %mul3A_927 : vector<16xf32>
      %swap3A_929 = arith.index_cast %scan3A_53 : i32 to index
      %swap3A_930 = arith.constant 688 : index
      %swap3A_931 = tpu.vector_load %arg12[%swap3A_929, %swap3A_930] {strides = array<i32>} : memref<32x768xf32, #tpu.memory_space<vmem>>, vector<1x16xf32>,
      %swap3A_932 = vector.shape_cast %swap3A_931 : vector<1x16xf32> to vector<16xf32>
      %swap3A_933 = vector.shape_cast %add3A_928 : vector<16xf32> to vector<1x16xf32>
      tpu.vector_store %arg12[%swap3A_929, %swap3A_930], %swap3A_933 {strides = array<i32>} : memref<32x768xf32, #tpu.memory_space<vmem>>, vector<1x16xf32>,
      %get3A_934 = arith.index_cast %scan3A_53 : i32 to index
      %get3A_935 = arith.constant 704 : index
      %get3A_936 = tpu.vector_load %arg12[%get3A_934, %get3A_935] {strides = array<i32>} : memref<32x768xf32, #tpu.memory_space<vmem>>, vector<1x16xf32>,
      %get3A_937 = vector.shape_cast %get3A_936 : vector<1x16xf32> to vector<16xf32>
      %mul3A_938 = arith.constant 0.899999976 : f32
      %mul3A_939 = vector.broadcast %mul3A_938 : f32 to vector<16xf32>
      %mul3A_940 = arith.mulf %get3A_937, %mul3A_939 : vector<16xf32>
      %get3A_941 = arith.index_cast %scan3A_53 : i32 to index
      %get3A_942 = arith.constant 704 : index
      %get3A_943 = tpu.vector_load %arg13[%get3A_941, %get3A_942] {strides = array<i32>} : memref<32x768xf32, #tpu.memory_space<vmem>>, vector<1x16xf32>,
      %get3A_944 = vector.shape_cast %get3A_943 : vector<1x16xf32> to vector<16xf32>
      %mul3A_945 = arith.constant 1.000000e-01 : f32
      %mul3A_946 = vector.broadcast %mul3A_945 : f32 to vector<16xf32>
      %mul3A_947 = arith.mulf %get3A_944, %mul3A_946 : vector<16xf32>
      %add3A_948 = arith.addf %mul3A_940, %mul3A_947 : vector<16xf32>
      %swap3A_949 = arith.index_cast %scan3A_53 : i32 to index
      %swap3A_950 = arith.constant 704 : index
      %swap3A_951 = tpu.vector_load %arg12[%swap3A_949, %swap3A_950] {strides = array<i32>} : memref<32x768xf32, #tpu.memory_space<vmem>>, vector<1x16xf32>,
      %swap3A_952 = vector.shape_cast %swap3A_951 : vector<1x16xf32> to vector<16xf32>
      %swap3A_953 = vector.shape_cast %add3A_948 : vector<16xf32> to vector<1x16xf32>
      tpu.vector_store %arg12[%swap3A_949, %swap3A_950], %swap3A_953 {strides = array<i32>} : memref<32x768xf32, #tpu.memory_space<vmem>>, vector<1x16xf32>,
      %get3A_954 = arith.index_cast %scan3A_53 : i32 to index
      %get3A_955 = arith.constant 720 : index
      %get3A_956 = tpu.vector_load %arg12[%get3A_954, %get3A_955] {strides = array<i32>} : memref<32x768xf32, #tpu.memory_space<vmem>>, vector<1x16xf32>,
      %get3A_957 = vector.shape_cast %get3A_956 : vector<1x16xf32> to vector<16xf32>
      %mul3A_958 = arith.constant 0.899999976 : f32
      %mul3A_959 = vector.broadcast %mul3A_958 : f32 to vector<16xf32>
      %mul3A_960 = arith.mulf %get3A_957, %mul3A_959 : vector<16xf32>
      %get3A_961 = arith.index_cast %scan3A_53 : i32 to index
      %get3A_962 = arith.constant 720 : index
      %get3A_963 = tpu.vector_load %arg13[%get3A_961, %get3A_962] {strides = array<i32>} : memref<32x768xf32, #tpu.memory_space<vmem>>, vector<1x16xf32>,
      %get3A_964 = vector.shape_cast %get3A_963 : vector<1x16xf32> to vector<16xf32>
      %mul3A_965 = arith.constant 1.000000e-01 : f32
      %mul3A_966 = vector.broadcast %mul3A_965 : f32 to vector<16xf32>
      %mul3A_967 = arith.mulf %get3A_964, %mul3A_966 : vector<16xf32>
      %add3A_968 = arith.addf %mul3A_960, %mul3A_967 : vector<16xf32>
      %swap3A_969 = arith.index_cast %scan3A_53 : i32 to index
      %swap3A_970 = arith.constant 720 : index
      %swap3A_971 = tpu.vector_load %arg12[%swap3A_969, %swap3A_970] {strides = array<i32>} : memref<32x768xf32, #tpu.memory_space<vmem>>, vector<1x16xf32>,
      %swap3A_972 = vector.shape_cast %swap3A_971 : vector<1x16xf32> to vector<16xf32>
      %swap3A_973 = vector.shape_cast %add3A_968 : vector<16xf32> to vector<1x16xf32>
      tpu.vector_store %arg12[%swap3A_969, %swap3A_970], %swap3A_973 {strides = array<i32>} : memref<32x768xf32, #tpu.memory_space<vmem>>, vector<1x16xf32>,
      %get3A_974 = arith.index_cast %scan3A_53 : i32 to index
      %get3A_975 = arith.constant 736 : index
      %get3A_976 = tpu.vector_load %arg12[%get3A_974, %get3A_975] {strides = array<i32>} : memref<32x768xf32, #tpu.memory_space<vmem>>, vector<1x16xf32>,
      %get3A_977 = vector.shape_cast %get3A_976 : vector<1x16xf32> to vector<16xf32>
      %mul3A_978 = arith.constant 0.899999976 : f32
      %mul3A_979 = vector.broadcast %mul3A_978 : f32 to vector<16xf32>
      %mul3A_980 = arith.mulf %get3A_977, %mul3A_979 : vector<16xf32>
      %get3A_981 = arith.index_cast %scan3A_53 : i32 to index
      %get3A_982 = arith.constant 736 : index
      %get3A_983 = tpu.vector_load %arg13[%get3A_981, %get3A_982] {strides = array<i32>} : memref<32x768xf32, #tpu.memory_space<vmem>>, vector<1x16xf32>,
      %get3A_984 = vector.shape_cast %get3A_983 : vector<1x16xf32> to vector<16xf32>
      %mul3A_985 = arith.constant 1.000000e-01 : f32
      %mul3A_986 = vector.broadcast %mul3A_985 : f32 to vector<16xf32>
      %mul3A_987 = arith.mulf %get3A_984, %mul3A_986 : vector<16xf32>
      %add3A_988 = arith.addf %mul3A_980, %mul3A_987 : vector<16xf32>
      %swap3A_989 = arith.index_cast %scan3A_53 : i32 to index
      %swap3A_990 = arith.constant 736 : index
      %swap3A_991 = tpu.vector_load %arg12[%swap3A_989, %swap3A_990] {strides = array<i32>} : memref<32x768xf32, #tpu.memory_space<vmem>>, vector<1x16xf32>,
      %swap3A_992 = vector.shape_cast %swap3A_991 : vector<1x16xf32> to vector<16xf32>
      %swap3A_993 = vector.shape_cast %add3A_988 : vector<16xf32> to vector<1x16xf32>
      tpu.vector_store %arg12[%swap3A_989, %swap3A_990], %swap3A_993 {strides = array<i32>} : memref<32x768xf32, #tpu.memory_space<vmem>>, vector<1x16xf32>,
      %get3A_994 = arith.index_cast %scan3A_53 : i32 to index
      %get3A_995 = arith.constant 752 : index
      %get3A_996 = tpu.vector_load %arg12[%get3A_994, %get3A_995] {strides = array<i32>} : memref<32x768xf32, #tpu.memory_space<vmem>>, vector<1x16xf32>,
      %get3A_997 = vector.shape_cast %get3A_996 : vector<1x16xf32> to vector<16xf32>
      %mul3A_998 = arith.constant 0.899999976 : f32
      %mul3A_999 = vector.broadcast %mul3A_998 : f32 to vector<16xf32>
      %mul3A_1000 = arith.mulf %get3A_997, %mul3A_999 : vector<16xf32>
      %get3A_1001 = arith.index_cast %scan3A_53 : i32 to index
      %get3A_1002 = arith.constant 752 : index
      %get3A_1003 = tpu.vector_load %arg13[%get3A_1001, %get3A_1002] {strides = array<i32>} : memref<32x768xf32, #tpu.memory_space<vmem>>, vector<1x16xf32>,
      %get3A_1004 = vector.shape_cast %get3A_1003 : vector<1x16xf32> to vector<16xf32>
      %mul3A_1005 = arith.constant 1.000000e-01 : f32
      %mul3A_1006 = vector.broadcast %mul3A_1005 : f32 to vector<16xf32>
      %mul3A_1007 = arith.mulf %get3A_1004, %mul3A_1006 : vector<16xf32>
      %add3A_1008 = arith.addf %mul3A_1000, %mul3A_1007 : vector<16xf32>
      %swap3A_1009 = arith.index_cast %scan3A_53 : i32 to index
      %swap3A_1010 = arith.constant 752 : index
      %swap3A_1011 = tpu.vector_load %arg12[%swap3A_1009, %swap3A_1010] {strides = array<i32>} : memref<32x768xf32, #tpu.memory_space<vmem>>, vector<1x16xf32>,
      %swap3A_1012 = vector.shape_cast %swap3A_1011 : vector<1x16xf32> to vector<16xf32>
      %swap3A_1013 = vector.shape_cast %add3A_1008 : vector<16xf32> to vector<1x16xf32>
      tpu.vector_store %arg12[%swap3A_1009, %swap3A_1010], %swap3A_1013 {strides = array<i32>} : memref<32x768xf32, #tpu.memory_space<vmem>>, vector<1x16xf32>,
    }
    %scan3A_11 = arith.constant 32 : i32
    %add3A_12 = arith.constant 0 : i32
    %add3A_13 = arith.addi %mul3A_2, %add3A_12 : i32
    %iota3A = tpu.iota {dimensions = array<i32: 0>} : vector<16xi32>
    %add3A_14 = vector.broadcast %add3A_13 : i32 to vector<16xi32>
    %add3A_15 = arith.addi %add3A_14, %iota3A : vector<16xi32>
    %get3A = arith.constant 0 : index
    %get3A_16 = tpu.vector_load %arg10[%get3A] {strides = array<i32>} : memref<32xi32, #tpu.memory_space<vmem>>, vector<16xi32>,
    %get3A_17 = vector.shape_cast %get3A_16 : vector<16xi32> to vector<16xi32>
    %mul3A_18 = arith.constant 1024 : i32
    %mul3A_19 = vector.broadcast %mul3A_18 : i32 to vector<16xi32>
    %mul3A_20 = arith.muli %get3A_17, %mul3A_19 : vector<16xi32>
    %add3A_21 = arith.addi %mul3A_20, %add3A_15 : vector<16xi32>
    %swap3A = arith.constant 0 : index
    %swap3A_22 = tpu.vector_load %arg11[%swap3A] {strides = array<i32>} : memref<32xi32, #tpu.memory_space<vmem>>, vector<16xi32>,
    %swap3A_23 = vector.shape_cast %swap3A_22 : vector<16xi32> to vector<16xi32>
    %swap3A_24 = vector.shape_cast %add3A_21 : vector<16xi32> to vector<16xi32>
    tpu.vector_store %arg11[%swap3A], %swap3A_24 {strides = array<i32>} : memref<32xi32, #tpu.memory_space<vmem>>, vector<16xi32>,
    %add3A_25 = arith.constant 16 : i32
    %add3A_26 = arith.addi %mul3A_2, %add3A_25 : i32
    %iota3A_27 = tpu.iota {dimensions = array<i32: 0>} : vector<16xi32>
    %add3A_28 = vector.broadcast %add3A_26 : i32 to vector<16xi32>
    %add3A_29 = arith.addi %add3A_28, %iota3A_27 : vector<16xi32>
    %get3A_30 = arith.constant 16 : index
    %get3A_31 = tpu.vector_load %arg10[%get3A_30] {strides = array<i32>} : memref<32xi32, #tpu.memory_space<vmem>>, vector<16xi32>,
    %get3A_32 = vector.shape_cast %get3A_31 : vector<16xi32> to vector<16xi32>
    %mul3A_33 = arith.constant 1024 : i32
    %mul3A_34 = vector.broadcast %mul3A_33 : i32 to vector<16xi32>
    %mul3A_35 = arith.muli %get3A_32, %mul3A_34 : vector<16xi32>
    %add3A_36 = arith.addi %mul3A_35, %add3A_29 : vector<16xi32>
    %swap3A_37 = arith.constant 16 : index
    %swap3A_38 = tpu.vector_load %arg11[%swap3A_37] {strides = array<i32>} : memref<32xi32, #tpu.memory_space<vmem>>, vector<16xi32>,
    %swap3A_39 = vector.shape_cast %swap3A_38 : vector<16xi32> to vector<16xi32>
    %swap3A_40 = vector.shape_cast %add3A_36 : vector<16xi32> to vector<16xi32>
    tpu.vector_store %arg11[%swap3A_37], %swap3A_40 {strides = array<i32>} : memref<32xi32, #tpu.memory_space<vmem>>, vector<16xi32>,
    %dma_start3A_41 = arith.constant 0 : i32
    %dma_start3A_42 = arith.constant 0 : i32
    %dma_start3A_43 = tpu.memref_slice %arg6[%dma_start3A_41, %dma_start3A_42] : memref<100000x768xf32, #tpu.memory_space<hbm>> -> memref<100000x768xf32, #tpu.memory_space<hbm>>
    tpu.enqueue_indirect_dma source(%arg12 : memref<32x768xf32, #tpu.memory_space<vmem>>) target(%dma_start3A_43 : memref<100000x768xf32, #tpu.memory_space<hbm>>) offsets(%arg9 : memref<32xi32, #tpu.memory_space<vmem>>) semaphore(%arg14 : memref<!tpu.dma_semaphore, #tpu.memory_space<semaphore_mem>>)
    %dma_start3A_44 = arith.constant 0 : i32
    %dma_start3A_45 = arith.constant 0 : i32
    %dma_start3A_46 = tpu.memref_slice %arg5[%dma_start3A_44, %dma_start3A_45] : memref<78848x768xf32, #tpu.memory_space<hbm>> -> memref<78848x768xf32, #tpu.memory_space<hbm>>
    tpu.enqueue_indirect_dma source(%arg12 : memref<32x768xf32, #tpu.memory_space<vmem>>) target(%dma_start3A_46 : memref<78848x768xf32, #tpu.memory_space<hbm>>) offsets(%arg11 : memref<32xi32, #tpu.memory_space<vmem>>) semaphore(%arg14 : memref<!tpu.dma_semaphore, #tpu.memory_space<semaphore_mem>>)
    %dma_wait3A_47 = arith.constant 0 : i32
    %dma_wait3A_48 = arith.constant 0 : i32
    %dma_wait3A_49 = tpu.memref_slice %arg6[%dma_wait3A_47, %dma_wait3A_48] : memref<100000x768xf32, #tpu.memory_space<hbm>> -> memref<100000x768xf32, #tpu.memory_space<hbm>>
    tpu.wait_indirect_dma semaphore(%arg14 : memref<!tpu.dma_semaphore, #tpu.memory_space<semaphore_mem>>) src(%arg12 : memref<32x768xf32, #tpu.memory_space<vmem>>) dst(%dma_wait3A_49 : memref<100000x768xf32, #tpu.memory_space<hbm>>)
    %dma_wait3A_50 = arith.constant 0 : i32
    %dma_wait3A_51 = arith.constant 0 : i32
    %dma_wait3A_52 = tpu.memref_slice %arg5[%dma_wait3A_50, %dma_wait3A_51] : memref<78848x768xf32, #tpu.memory_space<hbm>> -> memref<78848x768xf32, #tpu.memory_space<hbm>>
    tpu.wait_indirect_dma semaphore(%arg14 : memref<!tpu.dma_semaphore, #tpu.memory_space<semaphore_mem>>) src(%arg12 : memref<32x768xf32, #tpu.memory_space<vmem>>) dst(%dma_wait3A_52 : memref<78848x768xf32, #tpu.memory_space<hbm>>)
    return
  }
}

#map = affine_map<(d0, d1) -> (0, 0)>
module attributes {stable_mosaic.version = 14 : i64} {
  func.func @_sc_bulkcopy(%arg0: i32, %arg1: i32, %arg2: memref<78848x768xf32, #tpu.memory_space<hbm>>, %arg3: memref<100000x768xf32, #tpu.memory_space<hbm>>, %arg4: memref<78848x768xf32, #tpu.memory_space<hbm>>, %arg5: memref<100000x768xf32, #tpu.memory_space<hbm>>, %arg6: memref<!tpu.dma_semaphore, #tpu.memory_space<semaphore_mem>>, %arg7: memref<!tpu.dma_semaphore, #tpu.memory_space<semaphore_mem>>) attributes {dimension_semantics = [#tpu.dimension_semantics<core_parallel>, #tpu.dimension_semantics<subcore_parallel>], iteration_bounds = array<i64: 2, 16>, scalar_prefetch = 0 : i64, scratch_operands = 2 : i64, tpu.core_type = #tpu.core_type<sc_vector_subcore>, window_params = [{transform_indices = #map}, {transform_indices = #map}, {transform_indices = #map}, {transform_indices = #map}]} {
    %mul3A = arith.constant 2 : i32
    %mul3A_0 = arith.muli %arg1, %mul3A : i32
    %add3A = arith.addi %mul3A_0, %arg0 : i32
    %mul3A_1 = arith.constant 2464 : i32
    %mul3A_2 = arith.muli %add3A, %mul3A_1 : i32
    %mul3A_3 = arith.constant 3128 : i32
    %mul3A_4 = arith.muli %add3A, %mul3A_3 : i32
    %min3A = arith.constant 96872 : i32
    %min3A_5 = arith.minsi %mul3A_4, %min3A : i32
    %dma_start3A = arith.constant 0 : i32
    %dma_start3A_6 = tpu.memref_slice %arg4[%mul3A_2, %dma_start3A] : memref<78848x768xf32, #tpu.memory_space<hbm>> -> memref<2464x768xf32, #tpu.memory_space<hbm>>
    %dma_start3A_7 = arith.constant 0 : i32
    %dma_start3A_8 = tpu.memref_slice %arg2[%mul3A_2, %dma_start3A_7] : memref<78848x768xf32, #tpu.memory_space<hbm>> -> memref<2464x768xf32, #tpu.memory_space<hbm>>
    tpu.enqueue_dma source(%dma_start3A_8 : memref<2464x768xf32, #tpu.memory_space<hbm>>) target(%dma_start3A_6 : memref<2464x768xf32, #tpu.memory_space<hbm>>) target_semaphore(%arg6 : memref<!tpu.dma_semaphore, #tpu.memory_space<semaphore_mem>>)
    %dma_start3A_9 = arith.constant 0 : i32
    %dma_start3A_10 = tpu.memref_slice %arg5[%min3A_5, %dma_start3A_9] : memref<100000x768xf32, #tpu.memory_space<hbm>> -> memref<3128x768xf32, #tpu.memory_space<hbm>>
    %dma_start3A_11 = arith.constant 0 : i32
    %dma_start3A_12 = tpu.memref_slice %arg3[%min3A_5, %dma_start3A_11] : memref<100000x768xf32, #tpu.memory_space<hbm>> -> memref<3128x768xf32, #tpu.memory_space<hbm>>
    tpu.enqueue_dma source(%dma_start3A_12 : memref<3128x768xf32, #tpu.memory_space<hbm>>) target(%dma_start3A_10 : memref<3128x768xf32, #tpu.memory_space<hbm>>) target_semaphore(%arg7 : memref<!tpu.dma_semaphore, #tpu.memory_space<semaphore_mem>>)
    %dma_wait3A = arith.constant 0 : i32
    %dma_wait3A_13 = tpu.memref_slice %arg4[%mul3A_2, %dma_wait3A] : memref<78848x768xf32, #tpu.memory_space<hbm>> -> memref<2464x768xf32, #tpu.memory_space<hbm>>
    %dma_wait3A_14 = arith.constant 0 : i32
    %dma_wait3A_15 = tpu.memref_slice %arg2[%mul3A_2, %dma_wait3A_14] : memref<78848x768xf32, #tpu.memory_space<hbm>> -> memref<2464x768xf32, #tpu.memory_space<hbm>>
    tpu.wait_dma2 semaphore(%arg6 : memref<!tpu.dma_semaphore, #tpu.memory_space<semaphore_mem>>) src(%dma_wait3A_15 : memref<2464x768xf32, #tpu.memory_space<hbm>>) dst(%dma_wait3A_13 : memref<2464x768xf32, #tpu.memory_space<hbm>>)
    %dma_wait3A_16 = arith.constant 0 : i32
    %dma_wait3A_17 = tpu.memref_slice %arg5[%min3A_5, %dma_wait3A_16] : memref<100000x768xf32, #tpu.memory_space<hbm>> -> memref<3128x768xf32, #tpu.memory_space<hbm>>
    %dma_wait3A_18 = arith.constant 0 : i32
    %dma_wait3A_19 = tpu.memref_slice %arg3[%min3A_5, %dma_wait3A_18] : memref<100000x768xf32, #tpu.memory_space<hbm>> -> memref<3128x768xf32, #tpu.memory_space<hbm>>
    tpu.wait_dma2 semaphore(%arg7 : memref<!tpu.dma_semaphore, #tpu.memory_space<semaphore_mem>>) src(%dma_wait3A_19 : memref<3128x768xf32, #tpu.memory_space<hbm>>) dst(%dma_wait3A_17 : memref<3128x768xf32, #tpu.memory_space<hbm>>)
    return
  }
}

</mosaic_0001>

<sc_bundles>
// kernel: kernel.4.cloned.1.call-start
scs
__scs_entry_jumppad:
0x0: {  	(pc) =	sbr.rel $0x88, $3  }
0x1: {  	(tag) =	ssettag $0x0;
	lr =	simm.s32 $0x1  }
0x2: {  	[smem:$0x3F9C] =	sst lr;
	_ =	strace $0xD0000000  }
0x3: {  	_ = 	snop  }
0x4: {  	_ = 	snop  }
0x5: {  	_ = 	snop  }
0x6: {  	_ = 	snop  }
0x7: {  	_ = 	snop  }
__scs_overlays_trampoline_lowered:
0x8: {  	[smem:$0x3FAB] =	sst s0  }
0x9: {  	[smem:$0x3FAC] =	sst s1  }
0xa: {  	[smem:$0x3FAD] =	sst s2  }
0xb: {  	[smem:$0x3FAE] =	sst s3  }
0xc: {  	[smem:$0x3FAF] =	sst s4  }
0xd: {  	[smem:$0x3FB0] =	sst s5  }
0xe: {  	[smem:$0x3FB1] =	sst s6  }
0xf: {  	[smem:$0x3FB2] =	sst s7  }
0x10: {  	[smem:$0x3FB3] =	sst s8  }
0x11: {  	[smem:$0x3FB4] =	sst s9;
	s0 =	simm.s32 @!p0 $0x0  }
0x12: {  	s1 =	sld [smem:$0x3F9A];
	s0 =	simm.s32 @p0 $0x1  }
0x13: {  	[smem:$0x3FB5] =	sst s0;
	s0 =	simm.s32 @!p1 $0x0  }
0x14: {  	s2 =	sld [smem:$0x3F99];
	s0 =	simm.s32 @p1 $0x1  }
0x15: {  	[smem:$0x3FB6] =	sst s0;
	s0 =	simm.s32 @!p2 $0x0  }
0x16: {  	s3 =	sld [smem:$0x3FDB];
	s0 =	simm.s32 @p2 $0x1  }
0x17: {  	s4 =	simm.s32 $0x1BF5;
	[smem:$0x3FB8] =	sst s0  }
0x18: {  	s0 =	sld [smem:$0x3F9B];
	_ =	swait.ge [sflag:s4], $0x0  }
0x19: {  	s7 =	sld [smem:$0x3F9C]  }
0x1a: {  	s8 =	sadd.s32 $0xFFFFE003, lr  }
0x1b: {  	s9 =	sadd.s32 $0xFFFFFEF7, lr;
	s5 =	simm.s32 $0xFFFFFFFF;
	p2 =	slt.u32 s8, $0xFFFFF086  }
0x1c: {  	p1 =	slt.u32 s9, $0xF7A;
	s5 =	simm.s32 @!p2 $0x0  }
0x1d: {  	s5 =	simm.s32 @p1 $0x1;
	p0 =	seq.s32 s7, s2  }
0x1e: {  	s7 =	smul.u32 @!p0 $0xF7A, s2;
	p2 =	seq.s32 @!p0 s5, $0x0  }
0x1f: {  	s9 =	smul.u32 $0xF7A, s1;
	s8 =	simm.s32 @!p0 $0x1BF5;
	p2 =	por !p2, p0  }
0x20: {  	[sflag:s8] =	ssyncset.s32 @!p0 $0xFFFFF086;
	s6 =	sadd.s32 @!p0 s3, s7;
	s7 =	simm.s32 @!p0 $0x108  }
0x21: {  	s3 =	sadd.s32 s3, s9;
	s6 =	sadd.s32 @!p0 $0x88, s6;
	s7 =	simm.s32 @p2 $0x1082  }
0x22: {  	[simem:s7], [sflag:s8] =	dma.local @!p0 [hbm:s6], $0xF7A  }
0x23: {  	s9 =	sor.u32 $0xD0000000, s2;
	s6 =	simm.s32 $0x108;
	_ =	swait.ge @!p0 [sflag:s8], $0x0  }
0x24: {  	s3 =	sadd.s32 $0x88, s3;
	s6 =	simm.s32 @!p1 $0x1082;
	[sflag:s4] =	ssyncset.s32 $0xFFFFF086  }
0x25: {  	[simem:s6], [sflag:s4] =	dma.local [hbm:s3], $0xF7A  }
0x26: {  	[smem:$0x3F9C] =	sst s1;
	(tag) =	ssettag s2;
	_ =	strace s9  }
0x27: {  	s1 =	sld [smem:$0x3FAC]  }
0x28: {  	s2 =	sld [smem:$0x3FAD]  }
0x29: {  	s4 =	sld [smem:$0x3FAF]  }
0x2a: {  	p0 =	seq.s32 s5, $0x0;
	s5 =	sld [smem:$0x3FB0]  }
0x2b: {  	s6 =	sld [smem:$0x3FB1]  }
0x2c: {  	s7 =	sld [smem:$0x3FB2]  }
0x2d: {  	s3 =	simm.s32 $0x108;
	s8 =	sld [smem:$0x3FB3]  }
0x2e: {  	s3 =	simm.s32 @!p0 $0x1082;
	s9 =	sld [smem:$0x3FB4]  }
0x2f: {  	lr =	sadd.s32 s0, s3;
	s0 =	sld [smem:$0x3FAB]  }
0x30: {  	s3 =	sld [smem:$0x3FAE]  }
0x31: {  	[smem:$0x3FB7] =	sst s10  }
0x32: {  	s10 =	sld [smem:$0x3FB5];
	_ =	sdelay $0x3  }
0x33: {  	p0 =	seq.s32 s10, $0x1;
	s10 =	sld [smem:$0x3FB7];
	_ =	sdelay $0x3  }
0x34: {  	[smem:$0x3FB7] =	sst s10  }
0x35: {  	s10 =	sld [smem:$0x3FB6];
	_ =	sdelay $0x3  }
0x36: {  	p1 =	seq.s32 s10, $0x1;
	s10 =	sld [smem:$0x3FB7];
	_ =	sdelay $0x3  }
0x37: {  	[smem:$0x3FB7] =	sst s10  }
0x38: {  	s10 =	sld [smem:$0x3FB8]  }
0x39: {  	_ = 	snop;
	(pc) =	sbr.ind lr, $3  }
0x3a: {  	_ = 	snop  }
0x3b: {  	_ = 	snop  }
0x3c: {  	p2 =	seq.s32 s10, $0x1;
	s10 =	sld [smem:$0x3FB7]  }
0x3d: {  	_ =	shalt  }
0x3e: {  	_ =	shalt  }
0x3f: {  	_ =	shalt  }
0x40: {  	_ =	shalt  }
0x41: {  	_ =	shalt  }
0x42: {  	_ =	shalt  }
0x43: {  	_ =	shalt  }
0x44: {  	_ =	shalt  }
0x45: {  	_ =	shalt  }
0x46: {  	_ =	shalt  }
0x47: {  	_ =	shalt  }
0x48: {  	_ =	shalt  }
0x49: {  	_ =	shalt  }
0x4a: {  	_ =	shalt  }
0x4b: {  	_ =	shalt  }
0x4c: {  	_ =	shalt  }
0x4d: {  	_ =	shalt  }
0x4e: {  	_ =	shalt  }
0x4f: {  	_ =	shalt  }
0x50: {  	_ =	shalt  }
0x51: {  	_ =	shalt  }
0x52: {  	_ =	shalt  }
0x53: {  	_ =	shalt  }
0x54: {  	_ =	shalt  }
0x55: {  	_ =	shalt  }
0x56: {  	_ =	shalt  }
0x57: {  	_ =	shalt  }
0x58: {  	_ =	shalt  }
0x59: {  	_ =	shalt  }
0x5a: {  	_ =	shalt  }
0x5b: {  	_ =	shalt  }
0x5c: {  	_ =	shalt  }
0x5d: {  	_ =	shalt  }
0x5e: {  	_ =	shalt  }
0x5f: {  	_ =	shalt  }
0x60: {  	_ =	shalt  }
0x61: {  	_ =	shalt  }
0x62: {  	_ =	shalt  }
0x63: {  	_ =	shalt  }
0x64: {  	_ =	shalt  }
0x65: {  	_ =	shalt  }
0x66: {  	_ =	shalt  }
0x67: {  	_ =	shalt  }
0x68: {  	_ =	shalt  }
0x69: {  	_ =	shalt  }
0x6a: {  	_ =	shalt  }
0x6b: {  	_ =	shalt  }
0x6c: {  	_ =	shalt  }
0x6d: {  	_ =	shalt  }
0x6e: {  	_ =	shalt  }
0x6f: {  	_ =	shalt  }
0x70: {  	_ =	shalt  }
0x71: {  	_ =	shalt  }
0x72: {  	_ =	shalt  }
0x73: {  	_ =	shalt  }
0x74: {  	_ =	shalt  }
0x75: {  	_ =	shalt  }
0x76: {  	_ =	shalt  }
0x77: {  	_ =	shalt  }
0x78: {  	_ =	shalt  }
0x79: {  	_ =	shalt  }
0x7a: {  	_ =	shalt  }
0x7b: {  	_ =	shalt  }
0x7c: {  	_ =	shalt  }
0x7d: {  	_ =	shalt  }
0x7e: {  	_ =	shalt  }
0x7f: {  	_ =	shalt  }
0x80: {  	_ =	shalt  }
0x81: {  	_ =	shalt  }
0x82: {  	_ =	shalt  }
0x83: {  	_ =	shalt  }
0x84: {  	_ =	shalt  }
0x85: {  	_ =	shalt  }
0x86: {  	_ =	shalt  }
0x87: {  	_ =	shalt  }
.Lfunc_end0:
.L_simem_size_0:
called_computation_lowered:
.L_overlay_start_0:
0x88: {  	s2 =	sld [smem:$0x3FD9]  }
0x89: {  	s3 =	sld [smem:$0x3FFE];
	_ =	sdelay $0x1  }
0x8a: {  	s1 =	srdreg.scid  }
0x8b: {  	s0 =	sand.u32 $0x1, s1  }
0x8c: {  	s15 =	sshll.u32 s0, $0xA;
	s2 =	sadd.s32 s3, s2  }
0x8d: {  	s2 =	sadd.s32 s2, s15  }
0x8e: {  	[smem:$0x3FC3] =	sst s2  }
0x8f: {  	_ = 	snop  }
0x90: {  	s2 =	sld [smem:$0x3FD0];
	_ =	sdelay $0x1  }
0x91: {  	s16 =	sld [smem:$0x3FC9]  }
0x92: {  	s5 =	simm.s32 $0xA;
	s6 =	simm.s32 $0x10;
	s4 =	sld [smem:$0x3FC7]  }
0x93: {  	[smem:s6], [sflag:s5] =	dma.local [hbm:s2], $0x1  }
0x94: {  	_ =	swait.eq [sflag:s5], $0x1  }
0x95: {  	[sflag:s5] =	ssyncset.done $0x0  }
0x96: {  	s17 =	sld [smem:$0x10];
	[sflag:s5] =	ssyncadd.s32 $0xFFFFFFFF  }
0x97: {  	s18 =	sld [smem:$0x11];
	(tm) =	ssettm $0x1  }
0x98: {  	s19 =	sld [smem:$0x3FFB];
	_ =	sdelay $0x3  }
0x99: {  	_ =	strace s19  }
0x9a: {  	s6 =	sld [smem:$0x3FFC];
	_ =	sdelay $0x3  }
0x9b: {  	_ =	strace s6  }
0x9c: {  	s6 =	sld [smem:$0x3FFD];
	_ =	sdelay $0x3  }
0x9d: {  	_ =	strace s6  }
0x9e: {  	_ =	strace $0x8FFFFFFF  }
0x9f: {  	s20 =	sld [smem:$0x3FDB];
	_ =	sdelay $0x1  }
0xa0: {  	s7 =	simm.s32 $_scs_section_size  }
0xa1: {  	s8 =	simm.s32 $_size__tile_overlayer_lowered;
	s9 =	simm.s32 $_tile_overlayer_lowered  }
0xa2: {  	s23 =	simm.s32 $0x1BFF;
	s22 =	sshll.u32 s9, $0x1;
	s6 =	sadd.s32 s7, s20  }
0xa3: {  	s10 =	simm.s32 $0x0;
	s21 =	sshll.u32 s8, $0x1;
	s8 =	sadd.s32 s22, s6  }
0xa4: {  	[timem:s10], [sflag:s23] =	dma.local [hbm:s8], s21  }
0xa5: {  	_ =	swait.ge [sflag:s23], s21  }
0xa6: {  	s7 =	ssub.s32 $0x0, s21;
	[sflag:s23] =	ssyncset.done $0x0  }
0xa7: {  	[sflag:s23] =	ssyncadd.s32 s7;
	_ =	sdelay $0x1  }
0xa8: {  	s24 =	simm.s32 $0x1B8B  }
0xa9: {  	_ =	swait.ge [sflag:s24], $0x1  }
0xaa: {  	[sflag:s24] =	ssyncset.done $0x0  }
0xab: {  	s25 =	simm.s32 $0x1B8E;
	[sflag:s24] =	ssyncadd.s32 $0xFFFFFFFF  }
0xac: {  	s26 =	simm.s32 $execute0_lowered;
	[smem:$0x3FD2] =	sst s25  }
0xad: {  	s7 =	sshll.u32 s26, $0x1;
	_ =	strace $0x80000046;
	[dreg:$0x1] =	wrdreg $0xFFFFFFFF  }
0xae: {  	s28 =	simm.s32 $_size_execute0_lowered;
	s6 =	sadd.s32 s6, s7;
	[dreg:$0x0] =	wrdreg $0x0  }
0xaf: {  	s7 =	sshll.u32 s28, $0x1;
	[dreg:$0x2] =	wrdreg s6  }
0xb0: {  	[dreg:$0x3] =	wrdreg s7  }
0xb1: {  	[dreg:$0x4] =	wrdreg $0xC0  }
0xb2: {  	_ =	task [dreg:s10], $0x5FFFF  }
0xb3: {  	[dreg:$0x1] =	wrdreg $0xFFFFFFFF  }
0xb4: {  	[dreg:$0x0] =	wrdreg $0x60  }
0xb5: {  	[dreg:$0x2] =	wrdreg s16  }
0xb6: {  	[dreg:$0x3] =	wrdreg s4  }
0xb7: {  	[dreg:$0x4] =	wrdreg s17  }
0xb8: {  	[dreg:$0x5] =	wrdreg s18  }
0xb9: {  	[dreg:$0x6] =	wrdreg $0x9  }
0xba: {  	_ =	task.clear_ibuf [dreg:s10], $0x7FFFF;
	_ =	strace $0x90000046  }
0xbb: {  	s29 =	simm.s32 $0x9;
	_ =	strace $0x80000048  }
0xbc: {  	_ =	swait.ge [sflag:s29], $0x1  }
0xbd: {  	[sflag:s29] =	ssyncadd.s32 $0xFFFFFFFF  }
0xbe: {  	_ =	strace $0x90000048  }
0xbf: {  	_ =	sfence  }
0xc0: {  	s30 =	sld [smem:$0x0];
	_ =	sdelay $0x2  }
0xc1: {  	s31 =	sshll.u32 s1, $0xD;
	s1 =	sshrl.u32 s1, $0x2  }
0xc2: {  	s3 =	sand.u32 $0x4000, s31;
	s1 =	sadd.s32 s1, s30  }
0xc3: {  	s0 =	sor.u32 s3, s0;
	s1 =	sshll.u32 s1, $0x11  }
0xc4: {  	s0 =	sor.u32 s1, s0  }
0xc5: {  	s0 =	sadd.s32 $0x8F2B, s0  }
0xc6: {  	[sflag:s0] =	ssyncadd.remote.s32 $0x1  }
0xc7: {  	_ =	sfence.sel $0xFFFF  }
0xc8: {  	[dreg:$0x0] =	wrdreg $0xFFFFFFFF;
	(pc) =	sbr.abs _section_cstart, $3  }
0xc9: {  	[dreg:$0x1] =	wrdreg $0xFFFFFFFF  }
0xca: {  	_ =	task.clear_ibuf [dreg:s10], $0x2FFFF;
	_ =	strace $0x9FFFFFFF  }
0xcb: {  	(tm) =	ssettm $0x7FFFFFFF  }
tec
execute0_lowered:
.L_overlay_start_1:
0x0: {  	(tag) =	ssettag $0x1  }
0x1: {  	s1 =	srdreg.scid;
	s2 =	rddreg [dreg:$0x0]  }
0x2: {  	s0 =	stileid.u32;
	s5 =	rddreg [dreg:$0x1]  }
0x3: {  	s6 =	rddreg [dreg:$0x2];
	s3 =	sand.u32 $0x1, s1;
	s29 =	sshll.u32 s0, $0x1  }
0x4: {  	s8 =	rddreg [dreg:$0x3];
	s4 =	sor.u32 s3, s29  }
0x5: {  	s9 =	simm.s32 $0x0;
	s1 =	rddreg [dreg:$0x4];
	s7 =	smul.u32 $0xC38, s4  }
0x6: {  	[smem:$0x7FF] =	sst s9;
	s10 =	sshll.u32 s0, $0x6;
	s4 =	smul.u32 $0x39C00, s4  }
0x7: {  	_ =	strace $0x80000047;
	s30 =	ssub.s32 $0x2, s3;
	s7 =	smin.u32 s7, $0x17A68  }
0x8: {  	s31 =	sshrl.u32 s30, $0x1;
	s2 =	sadd.s32 s2, s4;
	s7 =	sshrl.u32 s7, $0x3  }
0x9: {  	s3 =	sadd.s32 s6, s4;
	s4 =	sor.u32 $0x1C01, s10;
	s7 =	smul.u32 $0x300, s7  }
0xa: {  	[hbm:s3], [sflag:s4] =	dma.local [hbm:s2], $0x39C00  }
0xb: {  	s9 =	ssub.s32 s30, s31;
	s5 =	sadd.s32 s5, s7  }
0xc: {  	s6 =	sadd.s32 s8, s7;
	s7 =	sor.u32 $0x1C02, s10;
	s10 =	smax.u32 s9, $0x1  }
0xd: {  	[hbm:s6], [sflag:s7] =	dma.local [hbm:s5], $0x49500  }
0xe: {  	s8 =	simm.s32 $0x1;
	p0 =	sne.s32 s10, $0x1  }
.Ltmp0:
0xf: {  	_ =	swait.ge [sflag:s8], $0x39C00;
	(pc) =	sbr.rel @!p0 .LBB2_2-.Ltmp0, $4  }
0x10: {  	[sflag:s8] =	ssyncset.done $0x0  }
0x11: {  	s9 =	simm.s32 $0x2;
	[sflag:s8] =	ssyncadd.s32 $0xFFFC6400  }
0x12: {  	_ =	swait.ge [sflag:s9], $0x49500  }
0x13: {  	s10 =	sadd.s32 $0xFFFFFFFF, s10;
	[sflag:s9] =	ssyncset.done $0x0  }
.LBB2_1:
0x14: {  	p0 =	sne.s32 s10, $0x1;
	s10 =	sadd.s32 $0xFFFFFFFF, s10;
	[sflag:s9] =	ssyncadd.s32 $0xFFFB6B00  }
0x15: {  	[hbm:s3], [sflag:s4] =	dma.local [hbm:s2], $0x39C00  }
0x16: {  	[hbm:s6], [sflag:s7] =	dma.local [hbm:s5], $0x49500  }
.Ltmp1:
0x17: {  	_ =	swait.ge [sflag:s8], $0x39C00;
	(pc) =	sbr.rel @p0 .LBB2_1-.Ltmp1, $4  }
0x18: {  	[sflag:s8] =	ssyncset.done $0x0  }
0x19: {  	[sflag:s8] =	ssyncadd.s32 $0xFFFC6400  }
0x1a: {  	_ =	swait.ge [sflag:s9], $0x49500  }
0x1b: {  	[sflag:s9] =	ssyncset.done $0x0  }
.LBB2_2:
0x1c: {  	[sflag:s9] =	ssyncadd.s32 $0xFFFB6B00  }
0x1d: {  	_ =	sfence.sel $0x180000  }
0x1e: {  	[bflag:$0x0] =	sbarrier.arrive $0xFFFF  }
0x1f: {  	p0 =	sne.s32 s0, $0x0;
	_ =	strace $0x90000047  }
0x20: {  	s0 =	sadd.s32 @!p0 $0x100000, s1;
	[bflag:$0x2] =	sbarrier.arrive $0xFFFF  }
0x21: {  	[sflag:s0] =	ssyncadd.tile.s32 @!p0 $0x1;
	_ =	shalt  }
.Lfunc_end2:
_tile_overlayer_lowered:
.L_overlay_start_2:
0x22: {  	(tag) =	ssettag $0x2  }
0x23: {  	s0 =	rddreg [dreg:$0x0];
	s2 =	stileid.u32  }
0x24: {  	s1 =	rddreg [dreg:$0x1];
	p0 =	sne.s32 s2, $0x0  }
0x25: {  	s3 =	rddreg [dreg:$0x2];
	[bflag:$0x3] =	sbarrier.arrive $0xFFFF;
	s2 =	simm.s32 @!p0 $0x1C03  }
0x26: {  	[timem:s3], [sflag:s2] =	dma.local @!p0 [hbm:s0], s1  }
0x27: {  	s0 =	simm.s32 @!p0 $0x3  }
0x28: {  	_ =	swait.ge @!p0 [sflag:s0], s1  }
0x29: {  	s1 =	ssub.s32 @!p0 $0x0, s1;
	[sflag:s0] =	ssyncset.done @!p0 $0x0  }
0x2a: {  	[sflag:s0] =	ssyncadd.s32 @!p0 s1  }
0x2b: {  	[bflag:$0x3] =	sbarrier.arrive $0xFFFF  }
0x2c: {  	_ =	shalt  }

// kernel: kernel.7.cloned.1.call-start
scs
__scs_entry_jumppad:
0x0: {  	(pc) =	sbr.rel $0x88, $3  }
0x1: {  	(tag) =	ssettag $0x0;
	lr =	simm.s32 $0x1  }
0x2: {  	[smem:$0x3F9C] =	sst lr;
	_ =	strace $0xD0000000  }
0x3: {  	_ = 	snop  }
0x4: {  	_ = 	snop  }
0x5: {  	_ = 	snop  }
0x6: {  	_ = 	snop  }
0x7: {  	_ = 	snop  }
__scs_overlays_trampoline_lowered:
0x8: {  	[smem:$0x3FAB] =	sst s0  }
0x9: {  	[smem:$0x3FAC] =	sst s1  }
0xa: {  	[smem:$0x3FAD] =	sst s2  }
0xb: {  	[smem:$0x3FAE] =	sst s3  }
0xc: {  	[smem:$0x3FAF] =	sst s4  }
0xd: {  	[smem:$0x3FB0] =	sst s5  }
0xe: {  	[smem:$0x3FB1] =	sst s6  }
0xf: {  	[smem:$0x3FB2] =	sst s7  }
0x10: {  	[smem:$0x3FB3] =	sst s8  }
0x11: {  	[smem:$0x3FB4] =	sst s9;
	s0 =	simm.s32 @!p0 $0x0  }
0x12: {  	s1 =	sld [smem:$0x3F9A];
	s0 =	simm.s32 @p0 $0x1  }
0x13: {  	[smem:$0x3FB5] =	sst s0;
	s0 =	simm.s32 @!p1 $0x0  }
0x14: {  	s2 =	sld [smem:$0x3F99];
	s0 =	simm.s32 @p1 $0x1  }
0x15: {  	[smem:$0x3FB6] =	sst s0;
	s0 =	simm.s32 @!p2 $0x0  }
0x16: {  	s3 =	sld [smem:$0x3FDB];
	s0 =	simm.s32 @p2 $0x1  }
0x17: {  	s4 =	simm.s32 $0x1BF5;
	[smem:$0x3FB8] =	sst s0  }
0x18: {  	s0 =	sld [smem:$0x3F9B];
	_ =	swait.ge [sflag:s4], $0x0  }
0x19: {  	s7 =	sld [smem:$0x3F9C]  }
0x1a: {  	s8 =	sadd.s32 $0xFFFFE003, lr  }
0x1b: {  	s9 =	sadd.s32 $0xFFFFFEF7, lr;
	s5 =	simm.s32 $0xFFFFFFFF;
	p2 =	slt.u32 s8, $0xFFFFF086  }
0x1c: {  	p1 =	slt.u32 s9, $0xF7A;
	s5 =	simm.s32 @!p2 $0x0  }
0x1d: {  	s5 =	simm.s32 @p1 $0x1;
	p0 =	seq.s32 s7, s2  }
0x1e: {  	s7 =	smul.u32 @!p0 $0xF7A, s2;
	p2 =	seq.s32 @!p0 s5, $0x0  }
0x1f: {  	s9 =	smul.u32 $0xF7A, s1;
	s8 =	simm.s32 @!p0 $0x1BF5;
	p2 =	por !p2, p0  }
0x20: {  	[sflag:s8] =	ssyncset.s32 @!p0 $0xFFFFF086;
	s6 =	sadd.s32 @!p0 s3, s7;
	s7 =	simm.s32 @!p0 $0x108  }
0x21: {  	s3 =	sadd.s32 s3, s9;
	s6 =	sadd.s32 @!p0 $0x88, s6;
	s7 =	simm.s32 @p2 $0x1082  }
0x22: {  	[simem:s7], [sflag:s8] =	dma.local @!p0 [hbm:s6], $0xF7A  }
0x23: {  	s9 =	sor.u32 $0xD0000000, s2;
	s6 =	simm.s32 $0x108;
	_ =	swait.ge @!p0 [sflag:s8], $0x0  }
0x24: {  	s3 =	sadd.s32 $0x88, s3;
	s6 =	simm.s32 @!p1 $0x1082;
	[sflag:s4] =	ssyncset.s32 $0xFFFFF086  }
0x25: {  	[simem:s6], [sflag:s4] =	dma.local [hbm:s3], $0xF7A  }
0x26: {  	[smem:$0x3F9C] =	sst s1;
	(tag) =	ssettag s2;
	_ =	strace s9  }
0x27: {  	s1 =	sld [smem:$0x3FAC]  }
0x28: {  	s2 =	sld [smem:$0x3FAD]  }
0x29: {  	s4 =	sld [smem:$0x3FAF]  }
0x2a: {  	p0 =	seq.s32 s5, $0x0;
	s5 =	sld [smem:$0x3FB0]  }
0x2b: {  	s6 =	sld [smem:$0x3FB1]  }
0x2c: {  	s7 =	sld [smem:$0x3FB2]  }
0x2d: {  	s3 =	simm.s32 $0x108;
	s8 =	sld [smem:$0x3FB3]  }
0x2e: {  	s3 =	simm.s32 @!p0 $0x1082;
	s9 =	sld [smem:$0x3FB4]  }
0x2f: {  	lr =	sadd.s32 s0, s3;
	s0 =	sld [smem:$0x3FAB]  }
0x30: {  	s3 =	sld [smem:$0x3FAE]  }
0x31: {  	[smem:$0x3FB7] =	sst s10  }
0x32: {  	s10 =	sld [smem:$0x3FB5];
	_ =	sdelay $0x3  }
0x33: {  	p0 =	seq.s32 s10, $0x1;
	s10 =	sld [smem:$0x3FB7];
	_ =	sdelay $0x3  }
0x34: {  	[smem:$0x3FB7] =	sst s10  }
0x35: {  	s10 =	sld [smem:$0x3FB6];
	_ =	sdelay $0x3  }
0x36: {  	p1 =	seq.s32 s10, $0x1;
	s10 =	sld [smem:$0x3FB7];
	_ =	sdelay $0x3  }
0x37: {  	[smem:$0x3FB7] =	sst s10  }
0x38: {  	s10 =	sld [smem:$0x3FB8]  }
0x39: {  	_ = 	snop;
	(pc) =	sbr.ind lr, $3  }
0x3a: {  	_ = 	snop  }
0x3b: {  	_ = 	snop  }
0x3c: {  	p2 =	seq.s32 s10, $0x1;
	s10 =	sld [smem:$0x3FB7]  }
0x3d: {  	_ =	shalt  }
0x3e: {  	_ =	shalt  }
0x3f: {  	_ =	shalt  }
0x40: {  	_ =	shalt  }
0x41: {  	_ =	shalt  }
0x42: {  	_ =	shalt  }
0x43: {  	_ =	shalt  }
0x44: {  	_ =	shalt  }
0x45: {  	_ =	shalt  }
0x46: {  	_ =	shalt  }
0x47: {  	_ =	shalt  }
0x48: {  	_ =	shalt  }
0x49: {  	_ =	shalt  }
0x4a: {  	_ =	shalt  }
0x4b: {  	_ =	shalt  }
0x4c: {  	_ =	shalt  }
0x4d: {  	_ =	shalt  }
0x4e: {  	_ =	shalt  }
0x4f: {  	_ =	shalt  }
0x50: {  	_ =	shalt  }
0x51: {  	_ =	shalt  }
0x52: {  	_ =	shalt  }
0x53: {  	_ =	shalt  }
0x54: {  	_ =	shalt  }
0x55: {  	_ =	shalt  }
0x56: {  	_ =	shalt  }
0x57: {  	_ =	shalt  }
0x58: {  	_ =	shalt  }
0x59: {  	_ =	shalt  }
0x5a: {  	_ =	shalt  }
0x5b: {  	_ =	shalt  }
0x5c: {  	_ =	shalt  }
0x5d: {  	_ =	shalt  }
0x5e: {  	_ =	shalt  }
0x5f: {  	_ =	shalt  }
0x60: {  	_ =	shalt  }
0x61: {  	_ =	shalt  }
0x62: {  	_ =	shalt  }
0x63: {  	_ =	shalt  }
0x64: {  	_ =	shalt  }
0x65: {  	_ =	shalt  }
0x66: {  	_ =	shalt  }
0x67: {  	_ =	shalt  }
0x68: {  	_ =	shalt  }
0x69: {  	_ =	shalt  }
0x6a: {  	_ =	shalt  }
0x6b: {  	_ =	shalt  }
0x6c: {  	_ =	shalt  }
0x6d: {  	_ =	shalt  }
0x6e: {  	_ =	shalt  }
0x6f: {  	_ =	shalt  }
0x70: {  	_ =	shalt  }
0x71: {  	_ =	shalt  }
0x72: {  	_ =	shalt  }
0x73: {  	_ =	shalt  }
0x74: {  	_ =	shalt  }
0x75: {  	_ =	shalt  }
0x76: {  	_ =	shalt  }
0x77: {  	_ =	shalt  }
0x78: {  	_ =	shalt  }
0x79: {  	_ =	shalt  }
0x7a: {  	_ =	shalt  }
0x7b: {  	_ =	shalt  }
0x7c: {  	_ =	shalt  }
0x7d: {  	_ =	shalt  }
0x7e: {  	_ =	shalt  }
0x7f: {  	_ =	shalt  }
0x80: {  	_ =	shalt  }
0x81: {  	_ =	shalt  }
0x82: {  	_ =	shalt  }
0x83: {  	_ =	shalt  }
0x84: {  	_ =	shalt  }
0x85: {  	_ =	shalt  }
0x86: {  	_ =	shalt  }
0x87: {  	_ =	shalt  }
.Lfunc_end0:
.L_simem_size_0:
called_computation.1_lowered:
.L_overlay_start_0:
0x88: {  	s2 =	sld [smem:$0x3FD9]  }
0x89: {  	s3 =	sld [smem:$0x3FFE];
	_ =	sdelay $0x1  }
0x8a: {  	s1 =	srdreg.scid  }
0x8b: {  	s0 =	sand.u32 $0x1, s1  }
0x8c: {  	s15 =	sshll.u32 s0, $0xA;
	s2 =	sadd.s32 s3, s2  }
0x8d: {  	s2 =	sadd.s32 s2, s15  }
0x8e: {  	[smem:$0x3FC3] =	sst s2  }
0x8f: {  	_ = 	snop  }
0x90: {  	s2 =	sld [smem:$0x3FD0]  }
0x91: {  	s16 =	sld [smem:$0x3FC8]  }
0x92: {  	s4 =	sld [smem:$0x3FC6]  }
0x93: {  	s6 =	simm.s32 $0xA;
	s7 =	simm.s32 $0x10;
	s5 =	sld [smem:$0x3FC5]  }
0x94: {  	[smem:s7], [sflag:s6] =	dma.local [hbm:s2], $0x1  }
0x95: {  	_ =	swait.eq [sflag:s6], $0x1  }
0x96: {  	[sflag:s6] =	ssyncset.done $0x0  }
0x97: {  	s17 =	sld [smem:$0x10];
	[sflag:s6] =	ssyncadd.s32 $0xFFFFFFFF  }
0x98: {  	s18 =	sld [smem:$0x11];
	(tm) =	ssettm $0x1  }
0x99: {  	s19 =	sld [smem:$0x3FFB];
	_ =	sdelay $0x3  }
0x9a: {  	_ =	strace s19  }
0x9b: {  	s7 =	sld [smem:$0x3FFC];
	_ =	sdelay $0x3  }
0x9c: {  	_ =	strace s7  }
0x9d: {  	s7 =	sld [smem:$0x3FFD];
	_ =	sdelay $0x3  }
0x9e: {  	_ =	strace s7  }
0x9f: {  	_ =	strace $0x8FFFFFFF  }
0xa0: {  	s20 =	sld [smem:$0x3FDB];
	_ =	sdelay $0x1  }
0xa1: {  	s8 =	simm.s32 $_scs_section_size  }
0xa2: {  	s9 =	simm.s32 $_size__tile_overlayer_lowered;
	s10 =	simm.s32 $_tile_overlayer_lowered  }
0xa3: {  	s23 =	simm.s32 $0x1BFF;
	s22 =	sshll.u32 s10, $0x1;
	s7 =	sadd.s32 s8, s20  }
0xa4: {  	s11 =	simm.s32 $0x0;
	s21 =	sshll.u32 s9, $0x1;
	s9 =	sadd.s32 s22, s7  }
0xa5: {  	[timem:s11], [sflag:s23] =	dma.local [hbm:s9], s21  }
0xa6: {  	_ =	swait.ge [sflag:s23], s21  }
0xa7: {  	s8 =	ssub.s32 $0x0, s21;
	[sflag:s23] =	ssyncset.done $0x0  }
0xa8: {  	[sflag:s23] =	ssyncadd.s32 s8;
	_ =	sdelay $0x1  }
0xa9: {  	s24 =	simm.s32 $0x1B8B  }
0xaa: {  	_ =	swait.ge [sflag:s24], $0x1  }
0xab: {  	[sflag:s24] =	ssyncset.done $0x0  }
0xac: {  	s25 =	simm.s32 $0x1B8E;
	[sflag:s24] =	ssyncadd.s32 $0xFFFFFFFF  }
0xad: {  	s26 =	simm.s32 $execute0_lowered;
	[smem:$0x3FD2] =	sst s25  }
0xae: {  	s8 =	sshll.u32 s26, $0x1;
	_ =	strace $0x80000049;
	[dreg:$0x1] =	wrdreg $0xFFFFFFFF  }
0xaf: {  	s28 =	simm.s32 $_size_execute0_lowered;
	s7 =	sadd.s32 s7, s8;
	[dreg:$0x0] =	wrdreg $0x0  }
0xb0: {  	s8 =	sshll.u32 s28, $0x1;
	[dreg:$0x2] =	wrdreg s7  }
0xb1: {  	[dreg:$0x3] =	wrdreg s8  }
0xb2: {  	[dreg:$0x4] =	wrdreg $0xC0  }
0xb3: {  	_ =	task [dreg:s11], $0x5FFFF  }
0xb4: {  	[dreg:$0x1] =	wrdreg $0xFFFFFFFF  }
0xb5: {  	[dreg:$0x0] =	wrdreg $0x60  }
0xb6: {  	[dreg:$0x2] =	wrdreg s16  }
0xb7: {  	[dreg:$0x3] =	wrdreg s4  }
0xb8: {  	[dreg:$0x4] =	wrdreg s5  }
0xb9: {  	[dreg:$0x5] =	wrdreg s17  }
0xba: {  	[dreg:$0x6] =	wrdreg s18  }
0xbb: {  	[dreg:$0x7] =	wrdreg $0x9  }
0xbc: {  	_ =	task.clear_ibuf [dreg:s11], $0x8FFFF;
	_ =	strace $0x90000049  }
0xbd: {  	s29 =	simm.s32 $0x9;
	_ =	strace $0x8000004B  }
0xbe: {  	_ =	swait.ge [sflag:s29], $0x1  }
0xbf: {  	[sflag:s29] =	ssyncadd.s32 $0xFFFFFFFF  }
0xc0: {  	_ =	strace $0x9000004B  }
0xc1: {  	_ =	sfence  }
0xc2: {  	s30 =	sld [smem:$0x0];
	_ =	sdelay $0x2  }
0xc3: {  	s31 =	sshll.u32 s1, $0xD;
	s1 =	sshrl.u32 s1, $0x2  }
0xc4: {  	s3 =	sand.u32 $0x4000, s31;
	s1 =	sadd.s32 s1, s30  }
0xc5: {  	s0 =	sor.u32 s3, s0;
	s1 =	sshll.u32 s1, $0x11  }
0xc6: {  	s0 =	sor.u32 s1, s0  }
0xc7: {  	s0 =	sadd.s32 $0x8F2B, s0  }
0xc8: {  	[sflag:s0] =	ssyncadd.remote.s32 $0x1  }
0xc9: {  	_ =	sfence.sel $0xFFFF  }
0xca: {  	[dreg:$0x0] =	wrdreg $0xFFFFFFFF;
	(pc) =	sbr.abs _section_cstart, $3  }
0xcb: {  	[dreg:$0x1] =	wrdreg $0xFFFFFFFF  }
0xcc: {  	_ =	task.clear_ibuf [dreg:s11], $0x2FFFF;
	_ =	strace $0x9FFFFFFF  }
0xcd: {  	(tm) =	ssettm $0x7FFFFFFF  }
tec
execute0_lowered:
.L_overlay_start_1:
0x0: {  	(tag) =	ssettag $0x1  }
0x1: {  	s0 =	rddreg [dreg:$0x0]  }
0x2: {  	s1 =	rddreg [dreg:$0x1]  }
0x3: {  	s6 =	rddreg [dreg:$0x2];
	s3 =	srdreg.scid  }
0x4: {  	s2 =	rddreg [dreg:$0x3];
	s4 =	stileid.u32;
	s13 =	simm.s32 $0x2  }
0x5: {  	s16 =	simm.s32 $0x180;
	s17 =	simm.s32 $0x980;
	s18 =	simm.s32 $0x1180  }
0x6: {  	s19 =	simm.s32 $0x1980;
	s20 =	simm.s32 $0x2180;
	s22 =	simm.s32 $0x3180  }
0x7: {  	s23 =	simm.s32 $0x3980;
	s24 =	simm.s32 $0x4180;
	s25 =	simm.s32 $0x4980  }
0x8: {  	s28 =	simm.s32 $0x5980;
	s29 =	simm.s32 $0x1;
	s30 =	simm.s32 $0x0  }
0x9: {  	s5 =	sand.u32 $0x1, s3;
	s3 =	rddreg [dreg:$0x4];
	s7 =	sshll.u32 s4, $0x6  }
0xa: {  	s4 =	simm.s32 $0x0;
	s10 =	sadd.s32 $0x100, s2;
	s11 =	sadd.s32 $0x200, s2  }
0xb: {  	s8 =	sshll.u32 s5, $0x5;
	[smem:$0x7FF] =	sst s4;
	s5 =	ssub.s32 $0x2, s5  }
0xc: {  	s21 =	sor.u32 s8, s7;
	_ =	strace $0x8000004A;
	s26 =	sshrl.u32 s5, $0x1  }
0xd: {  	v4 =	vlaneseq.u32;
	s8 =	sadd.s32 $0x100, s3;
	s7 =	sshrl.u32 s21, $0x3;
	s12 =	ssub.s32 s5, s26  }
0xe: {  	s31 =	sor.u32 $0x10, s21;
	v0 =	vor.u32 s21, v4;
	s21 =	simm.s32 $0x2980;
	s9 =	smul.u32 $0x300, s7  }
0xf: {  	vm0 =	vmmov $0xffff;
	v2 =	vand.u32 $0x7, v4;
	v3 =	vshrl.u32 v4, $0x3;
	s26 =	simm.s32 $0x5180;
	s5 =	sadd.s32 s1, s7;
	s6 =	sadd.s32 s6, s7  }
0x10: {  	v3 =	vmul.u32 $0x8, v3;
	s12 =	smax.u32 s12, $0x1;
	v1 =	vor.u32 s31, v4;
	v4 =	vor.u32 $0x8, v4;
	s7 =	sadd.s32 s0, s9;
	s9 =	sadd.s32 $0x200, s3  }
.LBB2_1:
0x11: {  	[tilespmem:s4], [sflag:$0x2] =	stream.linear.gather [hbm4b:s5+s4], $0x20, $0x38;
	[tilespmem:$0xC180] =	vst v63  }
0x12: {  	_ =	swait.ge [sflag:s13], $0x20  }
0x13: {  	[sflag:s13] =	ssyncset.done $0x0  }
0x14: {  	s0 =	simm.s32 $0x80;
	[sflag:s13] =	ssyncadd.s32 $0xFFFFFFE0  }
0x15: {  	[tilespmem:s0], [sflag:$0x2] =	stream.linear.gather [hbm4b:s6+s4], $0x20, $0x38;
	[tilespmem:$0xC180] =	vst v63  }
0x16: {  	_ =	swait.ge [sflag:s13], $0x20  }
0x17: {  	[sflag:s13] =	ssyncset.done $0x0  }
0x18: {  	s14 =	simm.s32 $0x6180;
	[sflag:s13] =	ssyncadd.s32 $0xFFFFFFE0  }
0x19: {  	[tilespmem:s14], [sflag:$0x2] =	stream.linear.gather [hbm4b:s7+s4], $0x6000, $0x38;
	[tilespmem:$0xC180] =	vst v63  }
0x1a: {  	_ =	swait.ge [sflag:s13], $0x6000  }
0x1b: {  	[sflag:s13] =	ssyncset.done $0x0  }
0x1c: {  	[sflag:s13] =	ssyncadd.s32 $0xFFFFA000  }
0x1d: {  	v5 =	vld [tilespmem:$0x0];
	_ =	sdelay $0x4  }
0x1e: {  	v6 =	vshrl.u32 v5, $0x3  }
0x1f: {  	v6 =	vmul.u32 $0x30, v6  }
0x20: {  	v5 =	vand.u32 $0x7, v5  }
0x21: {  	v5 =	vor.u32 v5, v6  }
0x22: {  	v6 =	vperm.xlane v5, v2;
	_ =	sdelay $0x1  }
0x23: {  	v6 =	vadd.s32 v3, v6;
	_ =	sdelay $0x3  }
0x24: {  	v5 =	vperm.xlane v5, v4  }
0x25: {  	[tilespmem:s16], [sflag:$0x1] =	stream.indirect_vreg.gather [hbm4b:s3+s4], $0x80, v6, vm0, $0xb8;
	[tilespmem:$0xC180] =	vst v63  }
0x26: {  	v5 =	vadd.s32 v3, v5  }
0x27: {  	[tilespmem:s17], [sflag:$0x1] =	stream.indirect_vreg.gather [hbm4b:s8+s4], $0x80, v6, vm0, $0xb8;
	[tilespmem:$0xC180] =	vst v63  }
0x28: {  	_ = 	snop  }
0x29: {  	[tilespmem:s18], [sflag:$0x1] =	stream.indirect_vreg.gather [hbm4b:s9+s4], $0x80, v6, vm0, $0xb8;
	[tilespmem:$0xC180] =	vst v63  }
0x2a: {  	_ = 	snop  }
0x2b: {  	[tilespmem:s19], [sflag:$0x1] =	stream.indirect_vreg.gather [hbm4b:s3+s4], $0x80, v5, vm0, $0xb8;
	[tilespmem:$0xC180] =	vst v63  }
0x2c: {  	_ = 	snop  }
0x2d: {  	[tilespmem:s20], [sflag:$0x1] =	stream.indirect_vreg.gather [hbm4b:s8+s4], $0x80, v5, vm0, $0xb8;
	[tilespmem:$0xC180] =	vst v63  }
0x2e: {  	_ = 	snop  }
0x2f: {  	[tilespmem:s21], [sflag:$0x1] =	stream.indirect_vreg.gather [hbm4b:s9+s4], $0x80, v5, vm0, $0xb8;
	[tilespmem:$0xC180] =	vst v63  }
0x30: {  	v5 =	vld [tilespmem:$0x10];
	_ =	sdelay $0x4  }
0x31: {  	v6 =	vshrl.u32 v5, $0x3  }
0x32: {  	v6 =	vmul.u32 $0x30, v6  }
0x33: {  	v5 =	vand.u32 $0x7, v5  }
0x34: {  	v5 =	vor.u32 v5, v6  }
0x35: {  	v6 =	vperm.xlane v5, v2;
	_ =	sdelay $0x1  }
0x36: {  	v6 =	vadd.s32 v3, v6;
	_ =	sdelay $0x3  }
0x37: {  	v5 =	vperm.xlane v5, v4  }
0x38: {  	[tilespmem:s22], [sflag:$0x1] =	stream.indirect_vreg.gather [hbm4b:s3+s4], $0x80, v6, vm0, $0xb8;
	[tilespmem:$0xC180] =	vst v63  }
0x39: {  	v5 =	vadd.s32 v3, v5  }
0x3a: {  	[tilespmem:s23], [sflag:$0x1] =	stream.indirect_vreg.gather [hbm4b:s8+s4], $0x80, v6, vm0, $0xb8;
	[tilespmem:$0xC180] =	vst v63  }
0x3b: {  	_ = 	snop  }
0x3c: {  	[tilespmem:s24], [sflag:$0x1] =	stream.indirect_vreg.gather [hbm4b:s9+s4], $0x80, v6, vm0, $0xb8;
	[tilespmem:$0xC180] =	vst v63  }
0x3d: {  	_ = 	snop  }
0x3e: {  	[tilespmem:s25], [sflag:$0x1] =	stream.indirect_vreg.gather [hbm4b:s3+s4], $0x80, v5, vm0, $0xb8;
	[tilespmem:$0xC180] =	vst v63  }
0x3f: {  	_ = 	snop  }
0x40: {  	[tilespmem:s26], [sflag:$0x1] =	stream.indirect_vreg.gather [hbm4b:s8+s4], $0x80, v5, vm0, $0xb8;
	[tilespmem:$0xC180] =	vst v63  }
0x41: {  	_ = 	snop  }
0x42: {  	[tilespmem:s28], [sflag:$0x1] =	stream.indirect_vreg.gather [hbm4b:s9+s4], $0x80, v5, vm0, $0xb8;
	[tilespmem:$0xC180] =	vst v63  }
0x43: {  	s15 =	simm.s32 $0x0;
	_ =	swait.ge [sflag:s29], $0x6000  }
0x44: {  	s0 =	smul.u32 $0x1800, s15;
	[sflag:s29] =	ssyncset.done $0x0  }
0x45: {  	s1 =	sand.u32 $0x380, s4;
	[sflag:s29] =	ssyncadd.s32 $0xFFFFA000  }
0x46: {  	s31 =	sor.u32 s1, s0;
	[bflag:$0x0] =	sbarrier.arrive $0xFFFF  }
0x47: {  	v7 =	vld [tilespmem:s31+$0x6180]  }
0x48: {  	v33 =	vld [tilespmem:s31+$0x6190]  }
0x49: {  	v34 =	vld [tilespmem:s31+$0x61A0]  }
0x4a: {  	v35 =	vld [tilespmem:s31+$0x61B0]  }
0x4b: {  	v36 =	vld [tilespmem:s31+$0x61C0]  }
0x4c: {  	v37 =	vld [tilespmem:s31+$0x61D0]  }
0x4d: {  	v38 =	vld [tilespmem:s31+$0x61E0]  }
0x4e: {  	v39 =	vld [tilespmem:s31+$0x61F0]  }
0x4f: {  	v40 =	vld [tilespmem:s31+$0x6580]  }
0x50: {  	v41 =	vld [tilespmem:s31+$0x6590]  }
0x51: {  	v42 =	vld [tilespmem:s31+$0x65A0]  }
0x52: {  	v43 =	vld [tilespmem:s31+$0x65B0]  }
0x53: {  	v44 =	vld [tilespmem:s31+$0x65C0]  }
0x54: {  	v45 =	vld [tilespmem:s31+$0x65D0]  }
0x55: {  	v46 =	vld [tilespmem:s31+$0x65E0]  }
0x56: {  	v47 =	vld [tilespmem:s31+$0x65F0]  }
0x57: {  	v48 =	vld [tilespmem:s31+$0x6980]  }
0x58: {  	v49 =	vld [tilespmem:s31+$0x6990]  }
0x59: {  	v50 =	vld [tilespmem:s31+$0x69A0]  }
0x5a: {  	v51 =	vld [tilespmem:s31+$0x69B0]  }
0x5b: {  	v32 =	vld [tilespmem:s31+$0x69C0]  }
0x5c: {  	v31 =	vld [tilespmem:s31+$0x69D0]  }
0x5d: {  	v30 =	vld [tilespmem:s31+$0x69E0]  }
0x5e: {  	v29 =	vld [tilespmem:s31+$0x69F0]  }
0x5f: {  	v28 =	vld [tilespmem:s31+$0x6D80]  }
0x60: {  	v27 =	vld [tilespmem:s31+$0x6D90]  }
0x61: {  	v26 =	vld [tilespmem:s31+$0x6DA0]  }
0x62: {  	v25 =	vld [tilespmem:s31+$0x6DB0]  }
0x63: {  	v24 =	vld [tilespmem:s31+$0x6DC0]  }
0x64: {  	v23 =	vld [tilespmem:s31+$0x6DD0]  }
0x65: {  	v22 =	vld [tilespmem:s31+$0x6DE0]  }
0x66: {  	v21 =	vld [tilespmem:s31+$0x6DF0]  }
0x67: {  	v20 =	vld [tilespmem:s31+$0x7180]  }
0x68: {  	v19 =	vld [tilespmem:s31+$0x7190]  }
0x69: {  	v18 =	vld [tilespmem:s31+$0x71A0]  }
0x6a: {  	v17 =	vld [tilespmem:s31+$0x71B0]  }
0x6b: {  	v16 =	vld [tilespmem:s31+$0x71C0]  }
0x6c: {  	v15 =	vld [tilespmem:s31+$0x71D0]  }
0x6d: {  	v14 =	vld [tilespmem:s31+$0x71E0]  }
0x6e: {  	v13 =	vld [tilespmem:s31+$0x71F0]  }
0x6f: {  	v12 =	vld [tilespmem:s31+$0x7580]  }
0x70: {  	v11 =	vld [tilespmem:s31+$0x7590]  }
0x71: {  	v10 =	vld [tilespmem:s31+$0x75A0]  }
0x72: {  	v9 =	vld [tilespmem:s31+$0x75B0]  }
0x73: {  	v8 =	vld [tilespmem:s31+$0x75C0]  }
0x74: {  	v6 =	vld [tilespmem:s31+$0x75D0]  }
0x75: {  	v5 =	vld [tilespmem:s31+$0x75E0]  }
0x76: {  	v52 =	vld [tilespmem:s31+$0x180]  }
0x77: {  	v53 =	vld [tilespmem:s31+$0x190]  }
0x78: {  	v54 =	vld [tilespmem:s31+$0x1A0]  }
0x79: {  	v55 =	vld [tilespmem:s31+$0x1B0]  }
0x7a: {  	v57 =	vld [tilespmem:s31+$0x1D0];
	v7 =	vmul.f32 $1.000000010e-01, v7  }
0x7b: {  	v56 =	vld [tilespmem:s31+$0x1C0];
	v52 =	vmul.f32 $8.999999760e-01, v52;
	v33 =	vmul.f32 $1.000000010e-01, v33  }
0x7c: {  	v58 =	vld [tilespmem:s31+$0x1E0];
	v53 =	vmul.f32 $8.999999760e-01, v53;
	v34 =	vmul.f32 $1.000000010e-01, v34  }
0x7d: {  	v59 =	vld [tilespmem:s31+$0x1F0];
	v54 =	vmul.f32 $8.999999760e-01, v54;
	v35 =	vmul.f32 $1.000000010e-01, v35  }
0x7e: {  	v60 =	vmul.f32 $8.999999760e-01, v55;
	v36 =	vmul.f32 $1.000000010e-01, v36;
	v55 =	vld [tilespmem:s31+$0x580];
	v52 =	vadd.f32 v7, v52  }
0x7f: {  	v37 =	vmul.f32 $1.000000010e-01, v37;
	v63 =	vmul.f32 $8.999999760e-01, v57;
	v7 =	vld [tilespmem:s31+$0x75F0];
	v33 =	vadd.f32 v33, v53  }
0x80: {  	v61 =	vmul.f32 $8.999999760e-01, v56;
	v38 =	vmul.f32 $1.000000010e-01, v38;
	v62 =	vadd.f32 v35, v60;
	v53 =	vld [tilespmem:s31+$0x590];
	[tilespmem:s31+$0x180] =	vst v52  }
0x81: {  	v57 =	vmul.f32 $8.999999760e-01, v58;
	v39 =	vmul.f32 $1.000000010e-01, v39;
	v58 =	vadd.f32 v37, v63;
	v60 =	vld [tilespmem:s31+$0x5A0];
	[tilespmem:s31+$0x190] =	vst v33  }
0x82: {  	v59 =	vmul.f32 $8.999999760e-01, v59;
	v34 =	vadd.f32 v34, v54;
	v56 =	vadd.f32 v36, v61;
	v54 =	vld [tilespmem:s31+$0x5B0];
	[tilespmem:s31+$0x1B0] =	vst v62  }
0x83: {  	v61 =	vadd.f32 v38, v57;
	v62 =	vmul.f32 $1.000000010e-01, v40;
	[tilespmem:s31+$0x1D0] =	vst v58;
	v58 =	vld [tilespmem:s31+$0x5D0]  }
0x84: {  	[tilespmem:s31+$0x1C0] =	vst v56;
	v52 =	vadd.f32 v39, v59;
	v56 =	vmul.f32 $1.000000010e-01, v41;
	v33 =	vld [tilespmem:s31+$0x980];
	v63 =	vmul.f32 $8.999999760e-01, v55  }
0x85: {  	[tilespmem:s31+$0x1E0] =	vst v61;
	v59 =	vmul.f32 $1.000000010e-01, v42;
	v55 =	vld [tilespmem:s31+$0x5C0];
	v57 =	vmul.f32 $8.999999760e-01, v53  }
0x86: {  	v61 =	vmul.f32 $1.000000010e-01, v43;
	[tilespmem:s31+$0x1F0] =	vst v52;
	v52 =	vld [tilespmem:s31+$0x9B0];
	v36 =	vadd.f32 v62, v63;
	v37 =	vmul.f32 $8.999999760e-01, v60  }
0x87: {  	[tilespmem:s31+$0x1A0] =	vst v34;
	v60 =	vld [tilespmem:s31+$0x5E0];
	v35 =	vmul.f32 $8.999999760e-01, v54;
	v63 =	vmul.f32 $1.000000010e-01, v44;
	v39 =	vadd.f32 v56, v57  }
0x88: {  	v62 =	vld [tilespmem:s31+$0x5F0];
	v53 =	vmul.f32 $1.000000010e-01, v45;
	[tilespmem:s31+$0x580] =	vst v36;
	v37 =	vadd.f32 v59, v37;
	v38 =	vmul.f32 $8.999999760e-01, v58  }
0x89: {  	v54 =	vld [tilespmem:s31+$0x9C0];
	v35 =	vadd.f32 v61, v35;
	v59 =	vmul.f32 $1.000000010e-01, v48;
	v33 =	vmul.f32 $8.999999760e-01, v33;
	[tilespmem:s31+$0x590] =	vst v39  }
0x8a: {  	v45 =	vld [tilespmem:s31+$0xD90];
	v34 =	vmul.f32 $8.999999760e-01, v55;
	v55 =	vmul.f32 $1.000000010e-01, v46;
	[tilespmem:s31+$0x5A0] =	vst v37;
	v38 =	vadd.f32 v53, v38  }
0x8b: {  	v36 =	vld [tilespmem:s31+$0x990];
	v46 =	vmul.f32 $1.000000010e-01, v51;
	[tilespmem:s31+$0x5B0] =	vst v35;
	v33 =	vadd.f32 v59, v33;
	v37 =	vmul.f32 $8.999999760e-01, v52  }
0x8c: {  	v32 =	vmul.f32 $1.000000010e-01, v32;
	v56 =	vld [tilespmem:s31+$0x9D0];
	v34 =	vadd.f32 v63, v34;
	v40 =	vmul.f32 $8.999999760e-01, v60;
	[tilespmem:s31+$0x5D0] =	vst v38  }
0x8d: {  	v57 =	vmul.f32 $1.000000010e-01, v47;
	v58 =	vld [tilespmem:s31+$0x9E0];
	v41 =	vmul.f32 $8.999999760e-01, v62;
	[tilespmem:s31+$0x980] =	vst v33;
	v37 =	vadd.f32 v46, v37  }
0x8e: {  	v31 =	vmul.f32 $1.000000010e-01, v31;
	v47 =	vld [tilespmem:s31+$0xDA0];
	v35 =	vmul.f32 $8.999999760e-01, v54;
	[tilespmem:s31+$0x5C0] =	vst v34;
	v40 =	vadd.f32 v55, v40  }
0x8f: {  	v27 =	vmul.f32 $1.000000010e-01, v27;
	v48 =	vld [tilespmem:s31+$0xDB0];
	v33 =	vmul.f32 $8.999999760e-01, v45;
	v41 =	vadd.f32 v57, v41;
	[tilespmem:s31+$0x9B0] =	vst v37  }
0x90: {  	v61 =	vmul.f32 $1.000000010e-01, v49;
	v51 =	vld [tilespmem:s31+$0xDD0];
	v36 =	vmul.f32 $8.999999760e-01, v36;
	v32 =	vadd.f32 v32, v35;
	[tilespmem:s31+$0x5E0] =	vst v40  }
0x91: {  	v30 =	vmul.f32 $1.000000010e-01, v30;
	v60 =	vld [tilespmem:s31+$0x9F0];
	v34 =	vmul.f32 $8.999999760e-01, v56;
	v27 =	vadd.f32 v27, v33;
	[tilespmem:s31+$0x5F0] =	vst v41  }
0x92: {  	v62 =	vld [tilespmem:s31+$0xD80];
	v63 =	vmul.f32 $1.000000010e-01, v50;
	v50 =	vmul.f32 $8.999999760e-01, v58;
	v36 =	vadd.f32 v61, v36;
	[tilespmem:s31+$0x9C0] =	vst v32  }
0x93: {  	v26 =	vmul.f32 $1.000000010e-01, v26;
	v49 =	vld [tilespmem:s31+$0xDC0];
	v57 =	vmul.f32 $8.999999760e-01, v47;
	v31 =	vadd.f32 v31, v34;
	[tilespmem:s31+$0xD90] =	vst v27  }
0x94: {  	v25 =	vmul.f32 $1.000000010e-01, v25;
	v53 =	vld [tilespmem:s31+$0xDE0];
	v59 =	vmul.f32 $8.999999760e-01, v48;
	v30 =	vadd.f32 v30, v50;
	[tilespmem:s31+$0x990] =	vst v36  }
0x95: {  	v23 =	vmul.f32 $1.000000010e-01, v23;
	v55 =	vld [tilespmem:s31+$0xDF0];
	v26 =	vadd.f32 v26, v57;
	v32 =	vmul.f32 $8.999999760e-01, v51;
	[tilespmem:s31+$0x9D0] =	vst v31  }
0x96: {  	v29 =	vmul.f32 $1.000000010e-01, v29;
	v39 =	vld [tilespmem:s31+$0x9A0];
	v25 =	vadd.f32 v25, v59;
	v52 =	vmul.f32 $8.999999760e-01, v60;
	[tilespmem:s31+$0x9E0] =	vst v30  }
0x97: {  	v28 =	vmul.f32 $1.000000010e-01, v28;
	v56 =	vld [tilespmem:s31+$0x1180];
	v54 =	vmul.f32 $8.999999760e-01, v62;
	[tilespmem:s31+$0xDA0] =	vst v26;
	v23 =	vadd.f32 v23, v32  }
0x98: {  	v24 =	vmul.f32 $1.000000010e-01, v24;
	v58 =	vld [tilespmem:s31+$0x1190];
	v60 =	vmul.f32 $8.999999760e-01, v49;
	[tilespmem:s31+$0xDB0] =	vst v25;
	v29 =	vadd.f32 v29, v52  }
0x99: {  	v22 =	vmul.f32 $1.000000010e-01, v22;
	v27 =	vld [tilespmem:s31+$0x11A0];
	v31 =	vmul.f32 $8.999999760e-01, v53;
	v28 =	vadd.f32 v28, v54;
	[tilespmem:s31+$0xDD0] =	vst v23  }
0x9a: {  	v21 =	vmul.f32 $1.000000010e-01, v21;
	v26 =	vld [tilespmem:s31+$0x11B0];
	v24 =	vadd.f32 v24, v60;
	v30 =	vmul.f32 $8.999999760e-01, v55;
	[tilespmem:s31+$0x9F0] =	vst v29  }
0x9b: {  	v18 =	vmul.f32 $1.000000010e-01, v18;
	v39 =	vmul.f32 $8.999999760e-01, v39;
	v25 =	vld [tilespmem:s31+$0x11C0];
	v22 =	vadd.f32 v22, v31;
	[tilespmem:s31+$0xD80] =	vst v28  }
0x9c: {  	v61 =	vmul.f32 $1.000000010e-01, v20;
	[tilespmem:s31+$0xDC0] =	vst v24;
	v24 =	vld [tilespmem:s31+$0x11D0];
	v29 =	vmul.f32 $8.999999760e-01, v56;
	v21 =	vadd.f32 v21, v30  }
0x9d: {  	v39 =	vadd.f32 v63, v39;
	v23 =	vld [tilespmem:s31+$0x11E0];
	v28 =	vmul.f32 $8.999999760e-01, v58;
	[tilespmem:s31+$0xDE0] =	vst v22;
	v22 =	vmul.f32 $1.000000010e-01, v19  }
0x9e: {  	v20 =	vld [tilespmem:s31+$0x11F0];
	v62 =	vmul.f32 $1.000000010e-01, v16;
	v29 =	vadd.f32 v61, v29;
	[tilespmem:s31+$0xDF0] =	vst v21;
	v21 =	vmul.f32 $8.999999760e-01, v27  }
0x9f: {  	[tilespmem:s31+$0x9A0] =	vst v39;
	v19 =	vld [tilespmem:s31+$0x1580];
	v27 =	vmul.f32 $1.000000010e-01, v17;
	v26 =	vmul.f32 $8.999999760e-01, v26;
	v22 =	vadd.f32 v22, v28  }
0xa0: {  	v16 =	vmul.f32 $1.000000010e-01, v15;
	v17 =	vld [tilespmem:s31+$0x1590];
	v25 =	vmul.f32 $8.999999760e-01, v25;
	[tilespmem:s31+$0x1180] =	vst v29;
	v63 =	vadd.f32 v18, v21  }
0xa1: {  	v15 =	vld [tilespmem:s31+$0x15A0];
	v18 =	vmul.f32 $1.000000010e-01, v14;
	[tilespmem:s31+$0x1190] =	vst v22;
	v22 =	vadd.f32 v27, v26;
	v21 =	vmul.f32 $8.999999760e-01, v24  }
0xa2: {  	s1 =	simm.s32 $0x1;
	s0 =	simm.s32 $0x0;
	v23 =	vmul.f32 $8.999999760e-01, v23;
	v14 =	vmul.f32 $1.000000010e-01, v13;
	v13 =	vld [tilespmem:s31+$0x15B0];
	v24 =	vadd.f32 v62, v25;
	[tilespmem:s31+$0x11A0] =	vst v63  }
.LBB2_2:
0xa3: {  	p0 =	sne.s32 s1, $0x1F;
	[tilespmem:s31+$0x11B0] =	vst v22;
	v16 =	vadd.f32 v16, v21;
	v20 =	vmul.f32 $8.999999760e-01, v20;
	v21 =	vld [tilespmem:s31+$0x15C0]  }
0xa4: {  	v12 =	vmul.f32 $1.000000010e-01, v12;
	[tilespmem:s31+$0x11C0] =	vst v24;
	v18 =	vadd.f32 v18, v23;
	v19 =	vmul.f32 $8.999999760e-01, v19;
	v22 =	vld [tilespmem:s31+$0x15D0]  }
0xa5: {  	v11 =	vmul.f32 $1.000000010e-01, v11;
	[tilespmem:s31+$0x11D0] =	vst v16;
	v14 =	vadd.f32 v14, v20;
	v16 =	vmul.f32 $8.999999760e-01, v17;
	v17 =	vld [tilespmem:s31+$0x15E0]  }
0xa6: {  	s14 =	sshrl.u32 s1, $0x3;
	v10 =	vmul.f32 $1.000000010e-01, v10;
	[tilespmem:s31+$0x11E0] =	vst v18;
	v12 =	vadd.f32 v12, v19;
	v15 =	vmul.f32 $8.999999760e-01, v15;
	v18 =	vld [tilespmem:s31+$0x15F0]  }
0xa7: {  	v9 =	vmul.f32 $1.000000010e-01, v9;
	s0 =	sadd.s32 $0x80, s0;
	s14 =	smul.u32 $0x1800, s14;
	[tilespmem:s31+$0x11F0] =	vst v14;
	v11 =	vadd.f32 v11, v16;
	v13 =	vmul.f32 $8.999999760e-01, v13  }
0xa8: {  	v8 =	vmul.f32 $1.000000010e-01, v8;
	s15 =	sand.u32 $0x380, s0;
	[tilespmem:s31+$0x1580] =	vst v12;
	v10 =	vadd.f32 v10, v15;
	v12 =	vmul.f32 $8.999999760e-01, v21  }
0xa9: {  	v6 =	vmul.f32 $1.000000010e-01, v6;
	s14 =	sor.u32 s15, s14;
	[tilespmem:s31+$0x1590] =	vst v11;
	v9 =	vadd.f32 v9, v13;
	v11 =	vmul.f32 $8.999999760e-01, v22  }
0xaa: {  	v5 =	vmul.f32 $1.000000010e-01, v5;
	v45 =	vld [tilespmem:s14+$0x6180];
	[tilespmem:s31+$0x15A0] =	vst v10;
	v8 =	vadd.f32 v8, v12;
	v10 =	vmul.f32 $8.999999760e-01, v17  }
0xab: {  	v7 =	vmul.f32 $1.000000010e-01, v7;
	v46 =	vld [tilespmem:s14+$0x6190];
	[tilespmem:s31+$0x15B0] =	vst v9;
	v6 =	vadd.f32 v6, v11;
	v9 =	vmul.f32 $8.999999760e-01, v18  }
0xac: {  	v47 =	vld [tilespmem:s14+$0x61A0];
	[tilespmem:s31+$0x15C0] =	vst v8;
	v5 =	vadd.f32 v5, v10  }
0xad: {  	v48 =	vld [tilespmem:s14+$0x61B0];
	[tilespmem:s31+$0x15D0] =	vst v6;
	v6 =	vadd.f32 v7, v9  }
0xae: {  	v49 =	vld [tilespmem:s14+$0x61C0];
	[tilespmem:s31+$0x15E0] =	vst v5  }
0xaf: {  	v50 =	vld [tilespmem:s14+$0x61D0];
	[tilespmem:s31+$0x15F0] =	vst v6;
	s31 =	smov.u32 s14  }
0xb0: {  	v51 =	vld [tilespmem:s31+$0x61E0]  }
0xb1: {  	v52 =	vld [tilespmem:s31+$0x61F0]  }
0xb2: {  	v44 =	vld [tilespmem:s31+$0x6580]  }
0xb3: {  	v43 =	vld [tilespmem:s31+$0x6590]  }
0xb4: {  	v42 =	vld [tilespmem:s31+$0x65A0]  }
0xb5: {  	v41 =	vld [tilespmem:s31+$0x65B0]  }
0xb6: {  	v40 =	vld [tilespmem:s31+$0x65C0]  }
0xb7: {  	v39 =	vld [tilespmem:s31+$0x65D0]  }
0xb8: {  	v38 =	vld [tilespmem:s31+$0x65E0]  }
0xb9: {  	v37 =	vld [tilespmem:s31+$0x65F0]  }
0xba: {  	v36 =	vld [tilespmem:s31+$0x6980]  }
0xbb: {  	v35 =	vld [tilespmem:s31+$0x6990]  }
0xbc: {  	v34 =	vld [tilespmem:s31+$0x69A0]  }
0xbd: {  	v33 =	vld [tilespmem:s31+$0x69B0]  }
0xbe: {  	v32 =	vld [tilespmem:s31+$0x69C0]  }
0xbf: {  	v31 =	vld [tilespmem:s31+$0x69D0]  }
0xc0: {  	v30 =	vld [tilespmem:s31+$0x69E0]  }
0xc1: {  	v29 =	vld [tilespmem:s31+$0x69F0]  }
0xc2: {  	v28 =	vld [tilespmem:s31+$0x6D80]  }
0xc3: {  	v27 =	vld [tilespmem:s31+$0x6D90]  }
0xc4: {  	v26 =	vld [tilespmem:s31+$0x6DA0]  }
0xc5: {  	v25 =	vld [tilespmem:s31+$0x6DB0]  }
0xc6: {  	v24 =	vld [tilespmem:s31+$0x6DC0]  }
0xc7: {  	v23 =	vld [tilespmem:s31+$0x6DD0]  }
0xc8: {  	v22 =	vld [tilespmem:s31+$0x6DE0]  }
0xc9: {  	v21 =	vld [tilespmem:s31+$0x6DF0]  }
0xca: {  	v20 =	vld [tilespmem:s31+$0x7180]  }
0xcb: {  	v19 =	vld [tilespmem:s31+$0x7190]  }
0xcc: {  	v18 =	vld [tilespmem:s31+$0x71A0]  }
0xcd: {  	v17 =	vld [tilespmem:s31+$0x71B0]  }
0xce: {  	v16 =	vld [tilespmem:s31+$0x71C0]  }
0xcf: {  	v15 =	vld [tilespmem:s31+$0x71D0]  }
0xd0: {  	v14 =	vld [tilespmem:s31+$0x71E0]  }
0xd1: {  	v13 =	vld [tilespmem:s31+$0x71F0]  }
0xd2: {  	v12 =	vld [tilespmem:s31+$0x7580]  }
0xd3: {  	v11 =	vld [tilespmem:s31+$0x7590]  }
0xd4: {  	v10 =	vld [tilespmem:s31+$0x75A0]  }
0xd5: {  	v9 =	vld [tilespmem:s31+$0x75B0]  }
0xd6: {  	v8 =	vld [tilespmem:s31+$0x75C0]  }
0xd7: {  	v6 =	vld [tilespmem:s31+$0x75D0]  }
0xd8: {  	v5 =	vld [tilespmem:s31+$0x75E0]  }
0xd9: {  	v7 =	vld [tilespmem:s31+$0x75F0]  }
0xda: {  	v53 =	vld [tilespmem:s31+$0x180]  }
0xdb: {  	v54 =	vld [tilespmem:s31+$0x190]  }
0xdc: {  	v55 =	vld [tilespmem:s31+$0x1A0]  }
0xdd: {  	v56 =	vld [tilespmem:s31+$0x1B0]  }
0xde: {  	v45 =	vmul.f32 $1.000000010e-01, v45;
	v57 =	vld [tilespmem:s31+$0x1C0]  }
0xdf: {  	v46 =	vmul.f32 $1.000000010e-01, v46;
	v53 =	vmul.f32 $8.999999760e-01, v53;
	v58 =	vld [tilespmem:s31+$0x1D0]  }
0xe0: {  	v47 =	vmul.f32 $1.000000010e-01, v47;
	v54 =	vmul.f32 $8.999999760e-01, v54;
	v59 =	vld [tilespmem:s31+$0x1E0]  }
0xe1: {  	v48 =	vmul.f32 $1.000000010e-01, v48;
	v45 =	vadd.f32 v45, v53;
	v53 =	vmul.f32 $8.999999760e-01, v55;
	v55 =	vld [tilespmem:s31+$0x1F0]  }
0xe2: {  	v49 =	vmul.f32 $1.000000010e-01, v49;
	v46 =	vadd.f32 v46, v54;
	v54 =	vmul.f32 $8.999999760e-01, v56;
	v56 =	vld [tilespmem:s31+$0x580]  }
0xe3: {  	v50 =	vmul.f32 $1.000000010e-01, v50;
	[tilespmem:s31+$0x180] =	vst v45;
	v45 =	vadd.f32 v47, v53;
	v47 =	vmul.f32 $8.999999760e-01, v57;
	v53 =	vld [tilespmem:s31+$0x590]  }
0xe4: {  	v51 =	vmul.f32 $1.000000010e-01, v51;
	[tilespmem:s31+$0x190] =	vst v46;
	v46 =	vadd.f32 v48, v54;
	v48 =	vmul.f32 $8.999999760e-01, v58;
	v54 =	vld [tilespmem:s31+$0x5A0]  }
0xe5: {  	[tilespmem:s31+$0x1A0] =	vst v45;
	v45 =	vadd.f32 v49, v47;
	v47 =	vmul.f32 $8.999999760e-01, v59;
	v49 =	vmul.f32 $1.000000010e-01, v52;
	v52 =	vld [tilespmem:s31+$0x5B0]  }
0xe6: {  	v44 =	vmul.f32 $1.000000010e-01, v44;
	[tilespmem:s31+$0x1B0] =	vst v46;
	v46 =	vadd.f32 v50, v48;
	v48 =	vmul.f32 $8.999999760e-01, v55;
	v50 =	vld [tilespmem:s31+$0x5C0]  }
0xe7: {  	v43 =	vmul.f32 $1.000000010e-01, v43;
	[tilespmem:s31+$0x1C0] =	vst v45;
	v45 =	vadd.f32 v51, v47;
	v47 =	vmul.f32 $8.999999760e-01, v56;
	v51 =	vld [tilespmem:s31+$0x5D0]  }
0xe8: {  	v42 =	vmul.f32 $1.000000010e-01, v42;
	[tilespmem:s31+$0x1D0] =	vst v46;
	v46 =	vadd.f32 v49, v48;
	v48 =	vmul.f32 $8.999999760e-01, v53;
	v49 =	vld [tilespmem:s31+$0x5E0]  }
0xe9: {  	v41 =	vmul.f32 $1.000000010e-01, v41;
	[tilespmem:s31+$0x1E0] =	vst v45;
	v44 =	vadd.f32 v44, v47;
	v45 =	vmul.f32 $8.999999760e-01, v54;
	v47 =	vld [tilespmem:s31+$0x5F0]  }
0xea: {  	v40 =	vmul.f32 $1.000000010e-01, v40;
	[tilespmem:s31+$0x1F0] =	vst v46;
	v43 =	vadd.f32 v43, v48;
	v46 =	vmul.f32 $8.999999760e-01, v52;
	v48 =	vld [tilespmem:s31+$0x980]  }
0xeb: {  	v39 =	vmul.f32 $1.000000010e-01, v39;
	[tilespmem:s31+$0x580] =	vst v44;
	v42 =	vadd.f32 v42, v45;
	v44 =	vmul.f32 $8.999999760e-01, v50;
	v45 =	vld [tilespmem:s31+$0x990]  }
0xec: {  	v38 =	vmul.f32 $1.000000010e-01, v38;
	[tilespmem:s31+$0x590] =	vst v43;
	v41 =	vadd.f32 v41, v46;
	v43 =	vmul.f32 $8.999999760e-01, v51;
	v46 =	vld [tilespmem:s31+$0x9A0]  }
0xed: {  	v37 =	vmul.f32 $1.000000010e-01, v37;
	[tilespmem:s31+$0x5A0] =	vst v42;
	v40 =	vadd.f32 v40, v44;
	v42 =	vmul.f32 $8.999999760e-01, v49;
	v44 =	vld [tilespmem:s31+$0x9B0]  }
0xee: {  	v36 =	vmul.f32 $1.000000010e-01, v36;
	[tilespmem:s31+$0x5B0] =	vst v41;
	v39 =	vadd.f32 v39, v43;
	v41 =	vmul.f32 $8.999999760e-01, v47;
	v43 =	vld [tilespmem:s31+$0x9C0]  }
0xef: {  	v35 =	vmul.f32 $1.000000010e-01, v35;
	[tilespmem:s31+$0x5C0] =	vst v40;
	v38 =	vadd.f32 v38, v42;
	v40 =	vmul.f32 $8.999999760e-01, v48;
	v42 =	vld [tilespmem:s31+$0x9D0]  }
0xf0: {  	v34 =	vmul.f32 $1.000000010e-01, v34;
	[tilespmem:s31+$0x5D0] =	vst v39;
	v37 =	vadd.f32 v37, v41;
	v39 =	vmul.f32 $8.999999760e-01, v45;
	v41 =	vld [tilespmem:s31+$0x9E0]  }
0xf1: {  	v33 =	vmul.f32 $1.000000010e-01, v33;
	[tilespmem:s31+$0x5E0] =	vst v38;
	v36 =	vadd.f32 v36, v40;
	v38 =	vmul.f32 $8.999999760e-01, v46;
	v40 =	vld [tilespmem:s31+$0x9F0]  }
0xf2: {  	v32 =	vmul.f32 $1.000000010e-01, v32;
	[tilespmem:s31+$0x5F0] =	vst v37;
	v35 =	vadd.f32 v35, v39;
	v37 =	vmul.f32 $8.999999760e-01, v44;
	v39 =	vld [tilespmem:s31+$0xD80]  }
0xf3: {  	v31 =	vmul.f32 $1.000000010e-01, v31;
	[tilespmem:s31+$0x980] =	vst v36;
	v34 =	vadd.f32 v34, v38;
	v36 =	vmul.f32 $8.999999760e-01, v43;
	v38 =	vld [tilespmem:s31+$0xD90]  }
0xf4: {  	v30 =	vmul.f32 $1.000000010e-01, v30;
	[tilespmem:s31+$0x990] =	vst v35;
	v33 =	vadd.f32 v33, v37;
	v35 =	vmul.f32 $8.999999760e-01, v42;
	v37 =	vld [tilespmem:s31+$0xDA0]  }
0xf5: {  	v29 =	vmul.f32 $1.000000010e-01, v29;
	[tilespmem:s31+$0x9A0] =	vst v34;
	v32 =	vadd.f32 v32, v36;
	v34 =	vmul.f32 $8.999999760e-01, v41;
	v36 =	vld [tilespmem:s31+$0xDB0]  }
0xf6: {  	v28 =	vmul.f32 $1.000000010e-01, v28;
	[tilespmem:s31+$0x9B0] =	vst v33;
	v31 =	vadd.f32 v31, v35;
	v33 =	vmul.f32 $8.999999760e-01, v40;
	v35 =	vld [tilespmem:s31+$0xDC0]  }
0xf7: {  	v27 =	vmul.f32 $1.000000010e-01, v27;
	[tilespmem:s31+$0x9C0] =	vst v32;
	v30 =	vadd.f32 v30, v34;
	v32 =	vmul.f32 $8.999999760e-01, v39;
	v34 =	vld [tilespmem:s31+$0xDD0]  }
0xf8: {  	v26 =	vmul.f32 $1.000000010e-01, v26;
	[tilespmem:s31+$0x9D0] =	vst v31;
	v29 =	vadd.f32 v29, v33;
	v31 =	vmul.f32 $8.999999760e-01, v38;
	v33 =	vld [tilespmem:s31+$0xDE0]  }
0xf9: {  	v25 =	vmul.f32 $1.000000010e-01, v25;
	[tilespmem:s31+$0x9E0] =	vst v30;
	v28 =	vadd.f32 v28, v32;
	v30 =	vmul.f32 $8.999999760e-01, v37;
	v32 =	vld [tilespmem:s31+$0xDF0]  }
0xfa: {  	v24 =	vmul.f32 $1.000000010e-01, v24;
	[tilespmem:s31+$0x9F0] =	vst v29;
	v27 =	vadd.f32 v27, v31;
	v29 =	vmul.f32 $8.999999760e-01, v36;
	v31 =	vld [tilespmem:s31+$0x1180]  }
0xfb: {  	v23 =	vmul.f32 $1.000000010e-01, v23;
	[tilespmem:s31+$0xD80] =	vst v28;
	v26 =	vadd.f32 v26, v30;
	v28 =	vmul.f32 $8.999999760e-01, v35;
	v30 =	vld [tilespmem:s31+$0x1190]  }
0xfc: {  	v22 =	vmul.f32 $1.000000010e-01, v22;
	[tilespmem:s31+$0xD90] =	vst v27;
	v25 =	vadd.f32 v25, v29;
	v27 =	vmul.f32 $8.999999760e-01, v34;
	v29 =	vld [tilespmem:s31+$0x11A0]  }
0xfd: {  	v21 =	vmul.f32 $1.000000010e-01, v21;
	[tilespmem:s31+$0xDA0] =	vst v26;
	v24 =	vadd.f32 v24, v28;
	v26 =	vmul.f32 $8.999999760e-01, v33;
	v28 =	vld [tilespmem:s31+$0x11B0]  }
0xfe: {  	v20 =	vmul.f32 $1.000000010e-01, v20;
	[tilespmem:s31+$0xDB0] =	vst v25;
	v23 =	vadd.f32 v23, v27;
	v25 =	vmul.f32 $8.999999760e-01, v32;
	v27 =	vld [tilespmem:s31+$0x11C0]  }
0xff: {  	v19 =	vmul.f32 $1.000000010e-01, v19;
	[tilespmem:s31+$0xDC0] =	vst v24;
	v22 =	vadd.f32 v22, v26;
	v24 =	vmul.f32 $8.999999760e-01, v31;
	v26 =	vld [tilespmem:s31+$0x11D0]  }
0x100: {  	v18 =	vmul.f32 $1.000000010e-01, v18;
	[tilespmem:s31+$0xDD0] =	vst v23;
	v21 =	vadd.f32 v21, v25;
	v23 =	vmul.f32 $8.999999760e-01, v30;
	v25 =	vld [tilespmem:s31+$0x11E0]  }
0x101: {  	[tilespmem:s31+$0xDE0] =	vst v22;
	v22 =	vadd.f32 v20, v24;
	v24 =	vmul.f32 $8.999999760e-01, v29  }
.Ltmp0:
0x102: {  	v29 =	vmul.f32 $1.000000010e-01, v17;
	v20 =	vld [tilespmem:s31+$0x11F0];
	(pc) =	sbr.rel @p0 .LBB2_2-.Ltmp0, $4  }
0x103: {  	[tilespmem:s31+$0xDF0] =	vst v21;
	v21 =	vadd.f32 v19, v23;
	v23 =	vmul.f32 $8.999999760e-01, v28;
	v28 =	vmul.f32 $1.000000010e-01, v16;
	v19 =	vld [tilespmem:s31+$0x1580]  }
0x104: {  	v16 =	vmul.f32 $1.000000010e-01, v15;
	[tilespmem:s31+$0x1180] =	vst v22;
	v24 =	vadd.f32 v18, v24;
	v27 =	vmul.f32 $8.999999760e-01, v27;
	v17 =	vld [tilespmem:s31+$0x1590]  }
0x105: {  	v18 =	vmul.f32 $1.000000010e-01, v14;
	[tilespmem:s31+$0x1190] =	vst v21;
	v22 =	vadd.f32 v29, v23;
	v21 =	vmul.f32 $8.999999760e-01, v26;
	v15 =	vld [tilespmem:s31+$0x15A0]  }
0x106: {  	s1 =	sadd.s32 $0x1, s1;
	v14 =	vmul.f32 $1.000000010e-01, v13;
	[tilespmem:s31+$0x11A0] =	vst v24;
	v24 =	vadd.f32 v28, v27;
	v23 =	vmul.f32 $8.999999760e-01, v25;
	v13 =	vld [tilespmem:s31+$0x15B0]  }
0x107: {  	[tilespmem:s31+$0x11B0] =	vst v22;
	v55 =	vld [tilespmem:s31+$0x15C0];
	v16 =	vadd.f32 v16, v21;
	v20 =	vmul.f32 $8.999999760e-01, v20  }
0x108: {  	v56 =	vld [tilespmem:s31+$0x15D0];
	v12 =	vmul.f32 $1.000000010e-01, v12;
	[tilespmem:s31+$0x11C0] =	vst v24;
	v18 =	vadd.f32 v18, v23;
	v57 =	vmul.f32 $8.999999760e-01, v19  }
0x109: {  	v58 =	vld [tilespmem:s31+$0x15E0];
	v11 =	vmul.f32 $1.000000010e-01, v11;
	[tilespmem:s31+$0x11D0] =	vst v16;
	v14 =	vadd.f32 v14, v20;
	v17 =	vmul.f32 $8.999999760e-01, v17  }
0x10a: {  	v10 =	vmul.f32 $1.000000010e-01, v10;
	v59 =	vld [tilespmem:s31+$0x15F0];
	[tilespmem:s31+$0x11E0] =	vst v18;
	v12 =	vadd.f32 v12, v57;
	v15 =	vmul.f32 $8.999999760e-01, v15  }
0x10b: {  	v9 =	vmul.f32 $1.000000010e-01, v9;
	[tilespmem:s31+$0x11F0] =	vst v14;
	v11 =	vadd.f32 v11, v17;
	v13 =	vmul.f32 $8.999999760e-01, v13  }
0x10c: {  	v8 =	vmul.f32 $1.000000010e-01, v8;
	[tilespmem:s31+$0x1580] =	vst v12;
	v10 =	vadd.f32 v10, v15;
	v60 =	vmul.f32 $8.999999760e-01, v55  }
0x10d: {  	v6 =	vmul.f32 $1.000000010e-01, v6;
	v61 =	vmul.f32 $8.999999760e-01, v56;
	[tilespmem:s31+$0x1590] =	vst v11;
	v9 =	vadd.f32 v9, v13  }
0x10e: {  	v5 =	vmul.f32 $1.000000010e-01, v5;
	v62 =	vmul.f32 $8.999999760e-01, v58;
	[tilespmem:s31+$0x15A0] =	vst v10;
	v8 =	vadd.f32 v8, v60  }
0x10f: {  	v7 =	vmul.f32 $1.000000010e-01, v7;
	v63 =	vmul.f32 $8.999999760e-01, v59;
	v6 =	vadd.f32 v6, v61;
	[tilespmem:s31+$0x15B0] =	vst v9  }
0x110: {  	v5 =	vadd.f32 v5, v62;
	[tilespmem:s31+$0x15C0] =	vst v8  }
0x111: {  	[tilespmem:s31+$0x15D0] =	vst v6;
	v6 =	vadd.f32 v7, v63  }
0x112: {  	[tilespmem:s31+$0x15E0] =	vst v5  }
0x113: {  	[tilespmem:s31+$0x15F0] =	vst v6  }
0x114: {  	v5 =	vld [tilespmem:$0x0];
	_ =	sdelay $0x4  }
0x115: {  	v6 =	vshrl.u32 v5, $0x3  }
0x116: {  	v6 =	vmul.u32 $0x30, v6  }
0x117: {  	v7 =	vld [tilespmem:$0x80];
	v5 =	vand.u32 $0x7, v5  }
0x118: {  	v8 =	vld [tilespmem:$0x90];
	v5 =	vor.u32 v5, v6  }
0x119: {  	v6 =	vperm.xlane v5, v2;
	_ =	sdelay $0x1  }
0x11a: {  	v6 =	vadd.s32 v3, v6  }
0x11b: {  	v7 =	vshll.u32 v7, $0xA  }
0x11c: {  	v8 =	vshll.u32 v8, $0xA;
	v7 =	vor.u32 v0, v7  }
0x11d: {  	[tilespmem:$0x100] =	vst v7;
	v7 =	vor.u32 v1, v8  }
0x11e: {  	[tilespmem:$0x110] =	vst v7;
	v5 =	vperm.xlane v5, v4  }
0x11f: {  	[hbm4b:s3+s4] =	stream.indirect_vreg.scatter [tilespmem:s16], [sflag:$0x1], $0x80, v6, vm0, $0xb8;
	[tilespmem:$0xC180] =	vst v63  }
0x120: {  	v5 =	vadd.s32 v3, v5  }
0x121: {  	[hbm4b:s8+s4] =	stream.indirect_vreg.scatter [tilespmem:s17], [sflag:$0x1], $0x80, v6, vm0, $0xb8;
	[tilespmem:$0xC180] =	vst v63  }
0x122: {  	_ = 	snop  }
0x123: {  	[hbm4b:s9+s4] =	stream.indirect_vreg.scatter [tilespmem:s18], [sflag:$0x1], $0x80, v6, vm0, $0xb8;
	[tilespmem:$0xC180] =	vst v63  }
0x124: {  	_ = 	snop  }
0x125: {  	[hbm4b:s3+s4] =	stream.indirect_vreg.scatter [tilespmem:s19], [sflag:$0x1], $0x80, v5, vm0, $0xb8;
	[tilespmem:$0xC180] =	vst v63  }
0x126: {  	_ = 	snop  }
0x127: {  	[hbm4b:s8+s4] =	stream.indirect_vreg.scatter [tilespmem:s20], [sflag:$0x1], $0x80, v5, vm0, $0xb8;
	[tilespmem:$0xC180] =	vst v63  }
0x128: {  	_ = 	snop  }
0x129: {  	[hbm4b:s9+s4] =	stream.indirect_vreg.scatter [tilespmem:s21], [sflag:$0x1], $0x80, v5, vm0, $0xb8;
	[tilespmem:$0xC180] =	vst v63  }
0x12a: {  	v5 =	vld [tilespmem:$0x10];
	_ =	sdelay $0x4  }
0x12b: {  	v6 =	vshrl.u32 v5, $0x3  }
0x12c: {  	v6 =	vmul.u32 $0x30, v6  }
0x12d: {  	v5 =	vand.u32 $0x7, v5  }
0x12e: {  	v5 =	vor.u32 v5, v6  }
0x12f: {  	v6 =	vperm.xlane v5, v2;
	_ =	sdelay $0x1  }
0x130: {  	v6 =	vadd.s32 v3, v6;
	_ =	sdelay $0x3  }
0x131: {  	v5 =	vperm.xlane v5, v4  }
0x132: {  	[hbm4b:s3+s4] =	stream.indirect_vreg.scatter [tilespmem:s22], [sflag:$0x1], $0x80, v6, vm0, $0xb8;
	[tilespmem:$0xC180] =	vst v63  }
0x133: {  	v5 =	vadd.s32 v3, v5  }
0x134: {  	[hbm4b:s8+s4] =	stream.indirect_vreg.scatter [tilespmem:s23], [sflag:$0x1], $0x80, v6, vm0, $0xb8;
	[tilespmem:$0xC180] =	vst v63  }
0x135: {  	_ = 	snop  }
0x136: {  	[hbm4b:s9+s4] =	stream.indirect_vreg.scatter [tilespmem:s24], [sflag:$0x1], $0x80, v6, vm0, $0xb8;
	[tilespmem:$0xC180] =	vst v63  }
0x137: {  	_ = 	snop  }
0x138: {  	[hbm4b:s3+s4] =	stream.indirect_vreg.scatter [tilespmem:s25], [sflag:$0x1], $0x80, v5, vm0, $0xb8;
	[tilespmem:$0xC180] =	vst v63  }
0x139: {  	_ = 	snop  }
0x13a: {  	[hbm4b:s8+s4] =	stream.indirect_vreg.scatter [tilespmem:s26], [sflag:$0x1], $0x80, v5, vm0, $0xb8;
	[tilespmem:$0xC180] =	vst v63  }
0x13b: {  	_ = 	snop  }
0x13c: {  	[hbm4b:s9+s4] =	stream.indirect_vreg.scatter [tilespmem:s28], [sflag:$0x1], $0x80, v5, vm0, $0xb8;
	[tilespmem:$0xC180] =	vst v63  }
0x13d: {  	v5 =	vld [tilespmem:$0x100];
	_ =	sdelay $0x4  }
0x13e: {  	v6 =	vshrl.u32 v5, $0x3  }
0x13f: {  	v6 =	vmul.u32 $0x30, v6  }
0x140: {  	v5 =	vand.u32 $0x7, v5  }
0x141: {  	v5 =	vor.u32 v5, v6  }
0x142: {  	v6 =	vperm.xlane v5, v2;
	_ =	sdelay $0x1  }
0x143: {  	v6 =	vadd.s32 v3, v6;
	_ =	sdelay $0x3  }
0x144: {  	v5 =	vperm.xlane v5, v4  }
0x145: {  	[hbm4b:s2+s4] =	stream.indirect_vreg.scatter [tilespmem:s16], [sflag:$0x1], $0x80, v6, vm0, $0xb8;
	[tilespmem:$0xC180] =	vst v63  }
0x146: {  	v5 =	vadd.s32 v3, v5  }
0x147: {  	[hbm4b:s10+s4] =	stream.indirect_vreg.scatter [tilespmem:s17], [sflag:$0x1], $0x80, v6, vm0, $0xb8;
	[tilespmem:$0xC180] =	vst v63  }
0x148: {  	_ = 	snop  }
0x149: {  	[hbm4b:s11+s4] =	stream.indirect_vreg.scatter [tilespmem:s18], [sflag:$0x1], $0x80, v6, vm0, $0xb8;
	[tilespmem:$0xC180] =	vst v63  }
0x14a: {  	_ = 	snop  }
0x14b: {  	[hbm4b:s2+s4] =	stream.indirect_vreg.scatter [tilespmem:s19], [sflag:$0x1], $0x80, v5, vm0, $0xb8;
	[tilespmem:$0xC180] =	vst v63  }
0x14c: {  	_ = 	snop  }
0x14d: {  	[hbm4b:s10+s4] =	stream.indirect_vreg.scatter [tilespmem:s20], [sflag:$0x1], $0x80, v5, vm0, $0xb8;
	[tilespmem:$0xC180] =	vst v63  }
0x14e: {  	_ = 	snop  }
0x14f: {  	[hbm4b:s11+s4] =	stream.indirect_vreg.scatter [tilespmem:s21], [sflag:$0x1], $0x80, v5, vm0, $0xb8;
	[tilespmem:$0xC180] =	vst v63  }
0x150: {  	v5 =	vld [tilespmem:$0x110];
	_ =	sdelay $0x4  }
0x151: {  	v6 =	vshrl.u32 v5, $0x3  }
0x152: {  	v6 =	vmul.u32 $0x30, v6  }
0x153: {  	v5 =	vand.u32 $0x7, v5  }
0x154: {  	v5 =	vor.u32 v5, v6  }
0x155: {  	v6 =	vperm.xlane v5, v2;
	_ =	sdelay $0x1  }
0x156: {  	v6 =	vadd.s32 v3, v6;
	_ =	sdelay $0x3  }
0x157: {  	v5 =	vperm.xlane v5, v4  }
0x158: {  	[hbm4b:s2+s4] =	stream.indirect_vreg.scatter [tilespmem:s22], [sflag:$0x1], $0x80, v6, vm0, $0xb8;
	[tilespmem:$0xC180] =	vst v63  }
0x159: {  	v5 =	vadd.s32 v3, v5  }
0x15a: {  	[hbm4b:s10+s4] =	stream.indirect_vreg.scatter [tilespmem:s23], [sflag:$0x1], $0x80, v6, vm0, $0xb8;
	[tilespmem:$0xC180] =	vst v63  }
0x15b: {  	_ = 	snop  }
0x15c: {  	[hbm4b:s11+s4] =	stream.indirect_vreg.scatter [tilespmem:s24], [sflag:$0x1], $0x80, v6, vm0, $0xb8;
	[tilespmem:$0xC180] =	vst v63  }
0x15d: {  	_ = 	snop  }
0x15e: {  	[hbm4b:s2+s4] =	stream.indirect_vreg.scatter [tilespmem:s25], [sflag:$0x1], $0x80, v5, vm0, $0xb8;
	[tilespmem:$0xC180] =	vst v63  }
0x15f: {  	_ = 	snop  }
0x160: {  	[hbm4b:s10+s4] =	stream.indirect_vreg.scatter [tilespmem:s26], [sflag:$0x1], $0x80, v5, vm0, $0xb8;
	[tilespmem:$0xC180] =	vst v63  }
0x161: {  	s30 =	sadd.s32 $0x1, s30  }
0x162: {  	[hbm4b:s11+s4] =	stream.indirect_vreg.scatter [tilespmem:s28], [sflag:$0x1], $0x80, v5, vm0, $0xb8;
	[tilespmem:$0xC180] =	vst v63  }
0x163: {  	p0 =	sne.s32 s30, s12;
	_ =	swait.ge [sflag:s29], $0x6000  }
.Ltmp1:
0x164: {  	[sflag:s29] =	ssyncset.done $0x0;
	(pc) =	sbr.rel @p0 .LBB2_1-.Ltmp1, $4  }
0x165: {  	[sflag:s29] =	ssyncadd.s32 $0xFFFFA000  }
0x166: {  	_ =	swait.ge [sflag:s29], $0x6000  }
0x167: {  	[sflag:s29] =	ssyncset.done $0x0  }
0x168: {  	[sflag:s29] =	ssyncadd.s32 $0xFFFFA000  }
0x169: {  	_ =	sfence.sel $0x180000  }
0x16a: {  	[bflag:$0x0] =	sbarrier.arrive $0xFFFF  }
0x16b: {  	_ =	strace $0x9000004A  }
0x16c: {  	s0 =	stileid.u32;
	[bflag:$0x2] =	sbarrier.arrive $0xFFFF  }
0x16d: {  	p0 =	sne.s32 s0, $0x0;
	s0 =	rddreg [dreg:$0x5]  }
0x16e: {  	s0 =	sadd.s32 @!p0 $0x100000, s0  }
0x16f: {  	[sflag:s0] =	ssyncadd.tile.s32 @!p0 $0x1;
	_ =	shalt  }
.Lfunc_end2:
_tile_overlayer_lowered:
.L_overlay_start_2:
0x170: {  	(tag) =	ssettag $0x2  }
0x171: {  	s0 =	rddreg [dreg:$0x0];
	s2 =	stileid.u32  }
0x172: {  	s1 =	rddreg [dreg:$0x1];
	p0 =	sne.s32 s2, $0x0  }
0x173: {  	s3 =	rddreg [dreg:$0x2];
	[bflag:$0x3] =	sbarrier.arrive $0xFFFF;
	s2 =	simm.s32 @!p0 $0x1C02  }
0x174: {  	[timem:s3], [sflag:s2] =	dma.local @!p0 [hbm:s0], s1  }
0x175: {  	s0 =	simm.s32 @!p0 $0x2  }
0x176: {  	_ =	swait.ge @!p0 [sflag:s0], s1  }
0x177: {  	s1 =	ssub.s32 @!p0 $0x0, s1;
	[sflag:s0] =	ssyncset.done @!p0 $0x0  }
0x178: {  	[sflag:s0] =	ssyncadd.s32 @!p0 s1  }
0x179: {  	[bflag:$0x3] =	sbarrier.arrive $0xFFFF  }
0x17a: {  	_ =	shalt  }

</sc_bundles>
